<compile_context>
chip_gen: v7x
topology: tpu7x:2x2x1
jax: 0.10.2.dev20260603
libtpu: 0.0.44.dev20260713+nightly
codegen_flags: <defaults>
</compile_context>

<pallas_src>
import functools

import jax
import jax.numpy as jnp
import numpy as np
from jax import lax
from jax.experimental import pallas as pl
from jax.experimental.pallas import tpu as pltpu
from jax.experimental.pallas import tpu_sc as plsc

_T = 512
_VOCAB = 100000
_NSUB = 16
_CHUNK = 6272
_NSCAN = _CHUNK // 16
_HALF = _VOCAB // 2
_OUT_CHUNK = 3136
_NOUT = _OUT_CHUNK // 16


def _rotl(x, r):
    return ((x << np.uint32(r)) | (x >> np.uint32(32 - r))).astype(np.uint32)


def _threefry2x32(k0, k1, x0, x1):
    rot = ((13, 15, 26, 6), (17, 29, 16, 24))
    ks = (np.uint32(k0), np.uint32(k1),
          np.uint32(k0 ^ k1 ^ np.uint32(0x1BD11BDA)))
    x0 = (x0 + ks[0]).astype(np.uint32)
    x1 = (x1 + ks[1]).astype(np.uint32)
    for i in range(5):
        for r in rot[i % 2]:
            x0 = (x0 + x1).astype(np.uint32)
            x1 = _rotl(x1, r)
            x1 = x1 ^ x0
        x0 = (x0 + ks[(i + 1) % 3]).astype(np.uint32)
        x1 = (x1 + ks[(i + 2) % 3] + np.uint32(i + 1)).astype(np.uint32)
    return x0, x1


def _gumbel_f32(seed, n):
    k0 = np.uint32(np.uint64(seed) >> np.uint64(32))
    k1 = np.uint32(np.uint64(seed) & np.uint64(0xFFFFFFFF))
    count = np.arange(n, dtype=np.uint32)
    o0, o1 = _threefry2x32(k0, k1, np.zeros(n, np.uint32), count)
    bits = o0 ^ o1
    float_bits = (bits >> np.uint32(9)) | np.uint32(0x3F800000)
    floats = float_bits.view(np.float32) - np.float32(1.0)
    tiny = np.float32(np.finfo(np.float32).tiny)
    u = np.maximum(tiny, floats * (np.float32(1.0) - tiny) + tiny)
    return -np.log(-np.log(u.astype(np.float32))).astype(np.float32)


_EXP_GUMBEL = np.exp(_gumbel_f32(42, _VOCAB).astype(np.float64)).astype(
    np.float32)

_GDN = jax.lax.GatherDimensionNumbers(
    offset_dims=(), collapsed_slice_dims=(0,), start_index_map=(0,))


def _take16(v, perm):
    return lax.gather(
        v, perm[:, None], _GDN, slice_sizes=(1,),
        mode=lax.GatherScatterMode.PROMISE_IN_BOUNDS)


def _lex_better(v, bv, gi, bi):
    return (v > bv) | ((v == bv) & (gi < bi))


_VB = 5000


def _tc_gather_body(t_ref, w_ref, out_ref):
    c = t_ref[0] % 128
    lane = lax.broadcasted_iota(jnp.int32, (_VB, 128), 1)
    w = w_ref[...]
    out_ref[...] = jnp.sum(jnp.where(lane == c, w, 0.0), axis=1,
                           keepdims=True)


@functools.cache
def _tc_gather():
    return pl.pallas_call(
        _tc_gather_body,
        grid_spec=pltpu.PrefetchScalarGridSpec(
            num_scalar_prefetch=1,
            grid=(_VOCAB // _VB,),
            in_specs=[pl.BlockSpec((_VB, 128), lambda i, t: (i, t[0] // 128))],
            out_specs=pl.BlockSpec((_VB, 1), lambda i, t: (i, 0)),
        ),
        out_shape=jax.ShapeDtypeStruct((_VOCAB, 1), jnp.float32),
    )


def _sc_body(w_hbm, eg_hbm, out_hbm,
             rows_v, eg_v, bv_v, bi_v, shv, shi, allv_v, alli_v,
             outbuf_v, sem):
    cid = lax.axis_index("c")
    sid = lax.axis_index("s")
    lanes = lax.iota(jnp.int32, 16)

    start = jnp.minimum(sid * _CHUNK, _VOCAB - _CHUNK)
    gather = pltpu.async_copy(w_hbm.at[pl.ds(start, _CHUNK)], rows_v, sem)
    pltpu.sync_copy(eg_hbm.at[pl.ds(start, _CHUNK)], eg_v)
    gather.wait()

    def scan_body(i, carry):
        bv, bi = carry
        off = i * 16
        v = rows_v[pl.ds(off, 16)] * eg_v[pl.ds(off, 16)]
        gi = start + off + lanes
        better = _lex_better(v, bv, gi, bi)
        return jnp.where(better, v, bv), jnp.where(better, gi, bi)

    bv, bi = lax.fori_loop(
        0, _NSCAN, scan_body,
        (jnp.full((16,), -jnp.inf, jnp.float32),
         jnp.zeros((16,), jnp.int32)))

    bv_v[...] = bv
    bi_v[...] = bi
    pltpu.sync_copy(bv_v, shv.at[pl.ds(sid * 16, 16)])
    pltpu.sync_copy(bi_v, shi.at[pl.ds(sid * 16, 16)])
    plsc.subcore_barrier()
    pltpu.sync_copy(shv, allv_v)
    pltpu.sync_copy(shi, alli_v)
    gv = allv_v[pl.ds(0, 16)]
    gi = alli_v[pl.ds(0, 16)]
    for j in range(1, _NSUB):
        v = allv_v[pl.ds(j * 16, 16)]
        ii = alli_v[pl.ds(j * 16, 16)]
        better = _lex_better(v, gv, ii, gi)
        gv = jnp.where(better, v, gv)
        gi = jnp.where(better, ii, gi)

    for s in (8, 4, 2, 1):
        perm = lanes ^ s
        ov = _take16(gv, perm)
        oi = _take16(gi, perm)
        better = _lex_better(ov, gv, oi, gi)
        gv = jnp.where(better, ov, gv)
        gi = jnp.where(better, oi, gi)
    amax = gi

    out_start = cid * _HALF + jnp.minimum(sid * _OUT_CHUNK, _HALF - _OUT_CHUNK)

    def fill_body(j, carry):
        off = j * 16
        gidx = out_start + off + lanes
        outbuf_v[pl.ds(off, 16)] = jnp.where(gidx == amax, 0.0, 1000.0)
        return carry

    lax.fori_loop(0, _NOUT, fill_body, 0)
    pltpu.sync_copy(outbuf_v, out_hbm.at[pl.ds(out_start, _OUT_CHUNK)])


@functools.cache
def _sc_call():
    return pl.kernel(
        _sc_body,
        out_type=jax.ShapeDtypeStruct((_VOCAB,), jnp.float32),
        mesh=plsc.VectorSubcoreMesh(core_axis_name="c", subcore_axis_name="s"),
        scratch_types=[
            pltpu.VMEM((_CHUNK,), jnp.float32),
            pltpu.VMEM((_CHUNK,), jnp.float32),
            pltpu.VMEM((16,), jnp.float32),
            pltpu.VMEM((16,), jnp.int32),
            pltpu.VMEM_SHARED((256,), jnp.float32),
            pltpu.VMEM_SHARED((256,), jnp.int32),
            pltpu.VMEM((256,), jnp.float32),
            pltpu.VMEM((256,), jnp.int32),
            pltpu.VMEM((_OUT_CHUNK,), jnp.float32),
            pltpu.SemaphoreType.DMA,
        ],
    )


def kernel(weights, time):
    eg = jnp.asarray(_EXP_GUMBEL)
    t = jnp.asarray(time, jnp.int32)
    row = _tc_gather()(t[None], weights.T).reshape(_VOCAB)
    return _sc_call()(row, eg)

# --- scband reference (transcript-rebuilt; emitter-appended) ---
"""Pipeline reference for scband-qfixed-89876485636325 (READ-ONLY COPY).

The authoritative reference and input builder live on the scoring server;
editing this copy changes nothing except your own understanding.
"""

import jax, jax.numpy as jnp
import numpy as np

T = 512
VOCAB = 100000

def setup_inputs(seed: int = 0) -> dict:
    key = jax.random.key(seed)
    weights = jax.random.uniform(key, (T, VOCAB), dtype=jnp.float32, minval=1e-6, maxval=1.0)
    time = 137
    return {"weights": weights, "time": time}

def reference(weights, time):
    # Faithful translation of QFixed.forward
    row = weights[time]                       # gather one row of the buffer
    q_values = jnp.ones_like(row) * 1000.0    # torch.ones_like(weights[time]) * 1000.0
    # torch.multinomial(input=row, num_samples=1): sample one index proportional to row
    logits = jnp.log(row)
    action = jax.random.categorical(jax.random.key(42), logits)
    q_values = q_values.at[action].set(0.0)   # q_values[action] = 0.0
    return q_values

if __name__ == "__main__":
    import jax
    _d = setup_inputs()
    print(jax.jit(kernel)(*tuple(_d.values())))

</pallas_src>

<mosaic_0001>
#map = affine_map<(d0, d1) -> (0)>
module attributes {stable_mosaic.version = 14 : i64} {
  func.func @_sc_body(%arg0: i32, %arg1: i32, %arg2: memref<100000xf32, #tpu.memory_space<hbm>>, %arg3: memref<100000xf32, #tpu.memory_space<hbm>>, %arg4: memref<100000xf32, #tpu.memory_space<hbm>>, %arg5: memref<6272xf32, #tpu.memory_space<vmem>>, %arg6: memref<6272xf32, #tpu.memory_space<vmem>>, %arg7: memref<16xf32, #tpu.memory_space<vmem>>, %arg8: memref<16xi32, #tpu.memory_space<vmem>>, %arg9: memref<256xf32, #tpu.memory_space<vmem_shared>>, %arg10: memref<256xi32, #tpu.memory_space<vmem_shared>>, %arg11: memref<256xf32, #tpu.memory_space<vmem>>, %arg12: memref<256xi32, #tpu.memory_space<vmem>>, %arg13: memref<3136xf32, #tpu.memory_space<vmem>>, %arg14: memref<!tpu.dma_semaphore, #tpu.memory_space<semaphore_mem>>) attributes {dimension_semantics = [#tpu.dimension_semantics<core_parallel>, #tpu.dimension_semantics<subcore_parallel>], iteration_bounds = array<i64: 2, 16>, scalar_prefetch = 0 : i64, scratch_operands = 10 : i64, tpu.core_type = #tpu.core_type<sc_vector_subcore>, window_params = [{transform_indices = #map}, {transform_indices = #map}, {transform_indices = #map}]} {
    %iota3A = tpu.iota {dimensions = array<i32: 0>} : vector<16xi32>
    %mul3A = arith.constant 6272 : i32
    %mul3A_0 = arith.muli %arg1, %mul3A : i32
    %min3A = arith.constant 93728 : i32
    %min3A_1 = arith.minsi %mul3A_0, %min3A : i32
    %dma_start3A = tpu.memref_slice %arg2[%min3A_1] : memref<100000xf32, #tpu.memory_space<hbm>> -> memref<6272xf32, #tpu.memory_space<hbm>>
    %dma_start3A_2 = tpu.memref_slice %arg2[%min3A_1] : memref<100000xf32, #tpu.memory_space<hbm>> -> memref<6272xf32, #tpu.memory_space<hbm>>
    tpu.enqueue_dma source(%dma_start3A_2 : memref<6272xf32, #tpu.memory_space<hbm>>) target(%arg5 : memref<6272xf32, #tpu.memory_space<vmem>>) target_semaphore(%arg14 : memref<!tpu.dma_semaphore, #tpu.memory_space<semaphore_mem>>)
    "tpu.region"() ({
      %run_scoped3A = tpu.sem_alloc : memref<!tpu.dma_semaphore, #tpu.memory_space<semaphore_mem>>
      %dma_start3A_291 = tpu.memref_slice %arg3[%min3A_1] : memref<100000xf32, #tpu.memory_space<hbm>> -> memref<6272xf32, #tpu.memory_space<hbm>>
      %dma_start3A_292 = tpu.memref_slice %arg3[%min3A_1] : memref<100000xf32, #tpu.memory_space<hbm>> -> memref<6272xf32, #tpu.memory_space<hbm>>
      tpu.enqueue_dma source(%dma_start3A_292 : memref<6272xf32, #tpu.memory_space<hbm>>) target(%arg6 : memref<6272xf32, #tpu.memory_space<vmem>>) target_semaphore(%run_scoped3A : memref<!tpu.dma_semaphore, #tpu.memory_space<semaphore_mem>>)
      %dma_wait3A_293 = tpu.memref_slice %arg3[%min3A_1] : memref<100000xf32, #tpu.memory_space<hbm>> -> memref<6272xf32, #tpu.memory_space<hbm>>
      %dma_wait3A_294 = tpu.memref_slice %arg3[%min3A_1] : memref<100000xf32, #tpu.memory_space<hbm>> -> memref<6272xf32, #tpu.memory_space<hbm>>
      tpu.wait_dma2 semaphore(%run_scoped3A : memref<!tpu.dma_semaphore, #tpu.memory_space<semaphore_mem>>) src(%dma_wait3A_294 : memref<6272xf32, #tpu.memory_space<hbm>>) dst(%arg6 : memref<6272xf32, #tpu.memory_space<vmem>>)
      tpu.yield
    }) : () -> ()
    %dma_wait3A = tpu.memref_slice %arg2[%min3A_1] : memref<100000xf32, #tpu.memory_space<hbm>> -> memref<6272xf32, #tpu.memory_space<hbm>>
    %dma_wait3A_3 = tpu.memref_slice %arg2[%min3A_1] : memref<100000xf32, #tpu.memory_space<hbm>> -> memref<6272xf32, #tpu.memory_space<hbm>>
    tpu.wait_dma2 semaphore(%arg14 : memref<!tpu.dma_semaphore, #tpu.memory_space<semaphore_mem>>) src(%dma_wait3A_3 : memref<6272xf32, #tpu.memory_space<hbm>>) dst(%arg5 : memref<6272xf32, #tpu.memory_space<vmem>>)
    %broadcast_in_dim3A = arith.constant 0xFF800000 : f32
    %broadcast_in_dim3A_4 = vector.broadcast %broadcast_in_dim3A : f32 to vector<16xf32>
    %broadcast_in_dim3A_5 = arith.constant 0 : i32
    %broadcast_in_dim3A_6 = vector.broadcast %broadcast_in_dim3A_5 : i32 to vector<16xi32>
    %scan3A = arith.constant 0 : i32
    %scan3A_7 = arith.constant 392 : i32
    %scan3A_8 = arith.addi %scan3A, %scan3A_7 : i32
    %scan3A_9 = arith.constant 1 : i32
    %scan3A_10:2 = scf.for %scan3A_291 = %scan3A to %scan3A_8 step %scan3A_9 iter_args(%scan3A_292 = %broadcast_in_dim3A_4, %scan3A_293 = %broadcast_in_dim3A_6) -> (vector<16xf32>, vector<16xi32>)  : i32 {
      %mul3A_294 = arith.constant 16 : i32
      %mul3A_295 = arith.muli %scan3A_291, %mul3A_294 : i32
      %get3A_296 = arith.index_cast %mul3A_295 : i32 to index
      %get3A_297 = tpu.vector_load %arg5[%get3A_296] {strides = array<i32>} : memref<6272xf32, #tpu.memory_space<vmem>>, vector<16xf32>,
      %get3A_298 = vector.shape_cast %get3A_297 : vector<16xf32> to vector<16xf32>
      %get3A_299 = arith.index_cast %mul3A_295 : i32 to index
      %get3A_300 = tpu.vector_load %arg6[%get3A_299] {strides = array<i32>} : memref<6272xf32, #tpu.memory_space<vmem>>, vector<16xf32>,
      %get3A_301 = vector.shape_cast %get3A_300 : vector<16xf32> to vector<16xf32>
      %mul3A_302 = arith.mulf %get3A_298, %get3A_301 : vector<16xf32>
      %add3A_303 = arith.addi %min3A_1, %mul3A_295 : i32
      %add3A_304 = vector.broadcast %add3A_303 : i32 to vector<16xi32>
      %add3A_305 = arith.addi %add3A_304, %iota3A : vector<16xi32>
      %gt3A_306 = arith.cmpf ogt, %mul3A_302, %scan3A_292 : vector<16xf32>
      %eq3A_307 = arith.cmpf oeq, %mul3A_302, %scan3A_292 : vector<16xf32>
      %lt3A_308 = arith.cmpi slt, %add3A_305, %scan3A_293 : vector<16xi32>
      %and3A_309 = arith.andi %eq3A_307, %lt3A_308 : vector<16xi1>
      %or3A_310 = arith.ori %gt3A_306, %and3A_309 : vector<16xi1>
      %select_n3A_311 = arith.select %or3A_310, %mul3A_302, %scan3A_292 : vector<16xi1>, vector<16xf32>
      %select_n3A_312 = arith.select %or3A_310, %add3A_305, %scan3A_293 : vector<16xi1>, vector<16xi32>
      scf.yield %select_n3A_311, %select_n3A_312 : vector<16xf32>, vector<16xi32>
    }
    %scan3A_11 = arith.constant 392 : i32
    %swap3A = arith.constant 0 : index
    %swap3A_12 = tpu.vector_load %arg7[%swap3A] {strides = array<i32>} : memref<16xf32, #tpu.memory_space<vmem>>, vector<16xf32>,
    %swap3A_13 = vector.shape_cast %swap3A_12 : vector<16xf32> to vector<16xf32>
    %swap3A_14 = vector.shape_cast %scan3A_10#0 : vector<16xf32> to vector<16xf32>
    tpu.vector_store %arg7[%swap3A], %swap3A_14 {strides = array<i32>} : memref<16xf32, #tpu.memory_space<vmem>>, vector<16xf32>,
    %swap3A_15 = arith.constant 0 : index
    %swap3A_16 = tpu.vector_load %arg8[%swap3A_15] {strides = array<i32>} : memref<16xi32, #tpu.memory_space<vmem>>, vector<16xi32>,
    %swap3A_17 = vector.shape_cast %swap3A_16 : vector<16xi32> to vector<16xi32>
    %swap3A_18 = vector.shape_cast %scan3A_10#1 : vector<16xi32> to vector<16xi32>
    tpu.vector_store %arg8[%swap3A_15], %swap3A_18 {strides = array<i32>} : memref<16xi32, #tpu.memory_space<vmem>>, vector<16xi32>,
    %mul3A_19 = arith.constant 16 : i32
    %mul3A_20 = arith.muli %arg1, %mul3A_19 : i32
    "tpu.region"() ({
      %run_scoped3A = tpu.sem_alloc : memref<!tpu.dma_semaphore, #tpu.memory_space<semaphore_mem>>
      %dma_start3A_291 = tpu.memref_slice %arg9[%mul3A_20] : memref<256xf32, #tpu.memory_space<vmem_shared>> -> memref<16xf32, #tpu.memory_space<vmem_shared>>
      %dma_start3A_292 = tpu.memref_slice %arg9[%mul3A_20] : memref<256xf32, #tpu.memory_space<vmem_shared>> -> memref<16xf32, #tpu.memory_space<vmem_shared>>
      tpu.enqueue_dma source(%arg7 : memref<16xf32, #tpu.memory_space<vmem>>) target(%dma_start3A_292 : memref<16xf32, #tpu.memory_space<vmem_shared>>) target_semaphore(%run_scoped3A : memref<!tpu.dma_semaphore, #tpu.memory_space<semaphore_mem>>)
      %dma_wait3A_293 = tpu.memref_slice %arg9[%mul3A_20] : memref<256xf32, #tpu.memory_space<vmem_shared>> -> memref<16xf32, #tpu.memory_space<vmem_shared>>
      %dma_wait3A_294 = tpu.memref_slice %arg9[%mul3A_20] : memref<256xf32, #tpu.memory_space<vmem_shared>> -> memref<16xf32, #tpu.memory_space<vmem_shared>>
      tpu.wait_dma2 semaphore(%run_scoped3A : memref<!tpu.dma_semaphore, #tpu.memory_space<semaphore_mem>>) src(%arg7 : memref<16xf32, #tpu.memory_space<vmem>>) dst(%dma_wait3A_294 : memref<16xf32, #tpu.memory_space<vmem_shared>>)
      tpu.yield
    }) : () -> ()
    %mul3A_21 = arith.constant 16 : i32
    %mul3A_22 = arith.muli %arg1, %mul3A_21 : i32
    "tpu.region"() ({
      %run_scoped3A = tpu.sem_alloc : memref<!tpu.dma_semaphore, #tpu.memory_space<semaphore_mem>>
      %dma_start3A_291 = tpu.memref_slice %arg10[%mul3A_22] : memref<256xi32, #tpu.memory_space<vmem_shared>> -> memref<16xi32, #tpu.memory_space<vmem_shared>>
      %dma_start3A_292 = tpu.memref_slice %arg10[%mul3A_22] : memref<256xi32, #tpu.memory_space<vmem_shared>> -> memref<16xi32, #tpu.memory_space<vmem_shared>>
      tpu.enqueue_dma source(%arg8 : memref<16xi32, #tpu.memory_space<vmem>>) target(%dma_start3A_292 : memref<16xi32, #tpu.memory_space<vmem_shared>>) target_semaphore(%run_scoped3A : memref<!tpu.dma_semaphore, #tpu.memory_space<semaphore_mem>>)
      %dma_wait3A_293 = tpu.memref_slice %arg10[%mul3A_22] : memref<256xi32, #tpu.memory_space<vmem_shared>> -> memref<16xi32, #tpu.memory_space<vmem_shared>>
      %dma_wait3A_294 = tpu.memref_slice %arg10[%mul3A_22] : memref<256xi32, #tpu.memory_space<vmem_shared>> -> memref<16xi32, #tpu.memory_space<vmem_shared>>
      tpu.wait_dma2 semaphore(%run_scoped3A : memref<!tpu.dma_semaphore, #tpu.memory_space<semaphore_mem>>) src(%arg8 : memref<16xi32, #tpu.memory_space<vmem>>) dst(%dma_wait3A_294 : memref<16xi32, #tpu.memory_space<vmem_shared>>)
      tpu.yield
    }) : () -> ()
    %barrier3A = arith.constant 0 : index
    tpu.barrier barrier_id(%barrier3A)
    "tpu.region"() ({
      %run_scoped3A = tpu.sem_alloc : memref<!tpu.dma_semaphore, #tpu.memory_space<semaphore_mem>>
      tpu.enqueue_dma source(%arg9 : memref<256xf32, #tpu.memory_space<vmem_shared>>) target(%arg11 : memref<256xf32, #tpu.memory_space<vmem>>) target_semaphore(%run_scoped3A : memref<!tpu.dma_semaphore, #tpu.memory_space<semaphore_mem>>)
      tpu.wait_dma2 semaphore(%run_scoped3A : memref<!tpu.dma_semaphore, #tpu.memory_space<semaphore_mem>>) src(%arg9 : memref<256xf32, #tpu.memory_space<vmem_shared>>) dst(%arg11 : memref<256xf32, #tpu.memory_space<vmem>>)
      tpu.yield
    }) : () -> ()
    "tpu.region"() ({
      %run_scoped3A = tpu.sem_alloc : memref<!tpu.dma_semaphore, #tpu.memory_space<semaphore_mem>>
      tpu.enqueue_dma source(%arg10 : memref<256xi32, #tpu.memory_space<vmem_shared>>) target(%arg12 : memref<256xi32, #tpu.memory_space<vmem>>) target_semaphore(%run_scoped3A : memref<!tpu.dma_semaphore, #tpu.memory_space<semaphore_mem>>)
      tpu.wait_dma2 semaphore(%run_scoped3A : memref<!tpu.dma_semaphore, #tpu.memory_space<semaphore_mem>>) src(%arg10 : memref<256xi32, #tpu.memory_space<vmem_shared>>) dst(%arg12 : memref<256xi32, #tpu.memory_space<vmem>>)
      tpu.yield
    }) : () -> ()
    %get3A = arith.constant 0 : index
    %get3A_23 = tpu.vector_load %arg11[%get3A] {strides = array<i32>} : memref<256xf32, #tpu.memory_space<vmem>>, vector<16xf32>,
    %get3A_24 = vector.shape_cast %get3A_23 : vector<16xf32> to vector<16xf32>
    %get3A_25 = arith.constant 0 : index
    %get3A_26 = tpu.vector_load %arg12[%get3A_25] {strides = array<i32>} : memref<256xi32, #tpu.memory_space<vmem>>, vector<16xi32>,
    %get3A_27 = vector.shape_cast %get3A_26 : vector<16xi32> to vector<16xi32>
    %get3A_28 = arith.constant 16 : index
    %get3A_29 = tpu.vector_load %arg11[%get3A_28] {strides = array<i32>} : memref<256xf32, #tpu.memory_space<vmem>>, vector<16xf32>,
    %get3A_30 = vector.shape_cast %get3A_29 : vector<16xf32> to vector<16xf32>
    %get3A_31 = arith.constant 16 : index
    %get3A_32 = tpu.vector_load %arg12[%get3A_31] {strides = array<i32>} : memref<256xi32, #tpu.memory_space<vmem>>, vector<16xi32>,
    %get3A_33 = vector.shape_cast %get3A_32 : vector<16xi32> to vector<16xi32>
    %gt3A = arith.cmpf ogt, %get3A_30, %get3A_24 : vector<16xf32>
    %eq3A = arith.cmpf oeq, %get3A_30, %get3A_24 : vector<16xf32>
    %lt3A = arith.cmpi slt, %get3A_33, %get3A_27 : vector<16xi32>
    %and3A = arith.andi %eq3A, %lt3A : vector<16xi1>
    %or3A = arith.ori %gt3A, %and3A : vector<16xi1>
    %select_n3A = arith.select %or3A, %get3A_30, %get3A_24 : vector<16xi1>, vector<16xf32>
    %select_n3A_34 = arith.select %or3A, %get3A_33, %get3A_27 : vector<16xi1>, vector<16xi32>
    %get3A_35 = arith.constant 32 : index
    %get3A_36 = tpu.vector_load %arg11[%get3A_35] {strides = array<i32>} : memref<256xf32, #tpu.memory_space<vmem>>, vector<16xf32>,
    %get3A_37 = vector.shape_cast %get3A_36 : vector<16xf32> to vector<16xf32>
    %get3A_38 = arith.constant 32 : index
    %get3A_39 = tpu.vector_load %arg12[%get3A_38] {strides = array<i32>} : memref<256xi32, #tpu.memory_space<vmem>>, vector<16xi32>,
    %get3A_40 = vector.shape_cast %get3A_39 : vector<16xi32> to vector<16xi32>
    %gt3A_41 = arith.cmpf ogt, %get3A_37, %select_n3A : vector<16xf32>
    %eq3A_42 = arith.cmpf oeq, %get3A_37, %select_n3A : vector<16xf32>
    %lt3A_43 = arith.cmpi slt, %get3A_40, %select_n3A_34 : vector<16xi32>
    %and3A_44 = arith.andi %eq3A_42, %lt3A_43 : vector<16xi1>
    %or3A_45 = arith.ori %gt3A_41, %and3A_44 : vector<16xi1>
    %select_n3A_46 = arith.select %or3A_45, %get3A_37, %select_n3A : vector<16xi1>, vector<16xf32>
    %select_n3A_47 = arith.select %or3A_45, %get3A_40, %select_n3A_34 : vector<16xi1>, vector<16xi32>
    %get3A_48 = arith.constant 48 : index
    %get3A_49 = tpu.vector_load %arg11[%get3A_48] {strides = array<i32>} : memref<256xf32, #tpu.memory_space<vmem>>, vector<16xf32>,
    %get3A_50 = vector.shape_cast %get3A_49 : vector<16xf32> to vector<16xf32>
    %get3A_51 = arith.constant 48 : index
    %get3A_52 = tpu.vector_load %arg12[%get3A_51] {strides = array<i32>} : memref<256xi32, #tpu.memory_space<vmem>>, vector<16xi32>,
    %get3A_53 = vector.shape_cast %get3A_52 : vector<16xi32> to vector<16xi32>
    %gt3A_54 = arith.cmpf ogt, %get3A_50, %select_n3A_46 : vector<16xf32>
    %eq3A_55 = arith.cmpf oeq, %get3A_50, %select_n3A_46 : vector<16xf32>
    %lt3A_56 = arith.cmpi slt, %get3A_53, %select_n3A_47 : vector<16xi32>
    %and3A_57 = arith.andi %eq3A_55, %lt3A_56 : vector<16xi1>
    %or3A_58 = arith.ori %gt3A_54, %and3A_57 : vector<16xi1>
    %select_n3A_59 = arith.select %or3A_58, %get3A_50, %select_n3A_46 : vector<16xi1>, vector<16xf32>
    %select_n3A_60 = arith.select %or3A_58, %get3A_53, %select_n3A_47 : vector<16xi1>, vector<16xi32>
    %get3A_61 = arith.constant 64 : index
    %get3A_62 = tpu.vector_load %arg11[%get3A_61] {strides = array<i32>} : memref<256xf32, #tpu.memory_space<vmem>>, vector<16xf32>,
    %get3A_63 = vector.shape_cast %get3A_62 : vector<16xf32> to vector<16xf32>
    %get3A_64 = arith.constant 64 : index
    %get3A_65 = tpu.vector_load %arg12[%get3A_64] {strides = array<i32>} : memref<256xi32, #tpu.memory_space<vmem>>, vector<16xi32>,
    %get3A_66 = vector.shape_cast %get3A_65 : vector<16xi32> to vector<16xi32>
    %gt3A_67 = arith.cmpf ogt, %get3A_63, %select_n3A_59 : vector<16xf32>
    %eq3A_68 = arith.cmpf oeq, %get3A_63, %select_n3A_59 : vector<16xf32>
    %lt3A_69 = arith.cmpi slt, %get3A_66, %select_n3A_60 : vector<16xi32>
    %and3A_70 = arith.andi %eq3A_68, %lt3A_69 : vector<16xi1>
    %or3A_71 = arith.ori %gt3A_67, %and3A_70 : vector<16xi1>
    %select_n3A_72 = arith.select %or3A_71, %get3A_63, %select_n3A_59 : vector<16xi1>, vector<16xf32>
    %select_n3A_73 = arith.select %or3A_71, %get3A_66, %select_n3A_60 : vector<16xi1>, vector<16xi32>
    %get3A_74 = arith.constant 80 : index
    %get3A_75 = tpu.vector_load %arg11[%get3A_74] {strides = array<i32>} : memref<256xf32, #tpu.memory_space<vmem>>, vector<16xf32>,
    %get3A_76 = vector.shape_cast %get3A_75 : vector<16xf32> to vector<16xf32>
    %get3A_77 = arith.constant 80 : index
    %get3A_78 = tpu.vector_load %arg12[%get3A_77] {strides = array<i32>} : memref<256xi32, #tpu.memory_space<vmem>>, vector<16xi32>,
    %get3A_79 = vector.shape_cast %get3A_78 : vector<16xi32> to vector<16xi32>
    %gt3A_80 = arith.cmpf ogt, %get3A_76, %select_n3A_72 : vector<16xf32>
    %eq3A_81 = arith.cmpf oeq, %get3A_76, %select_n3A_72 : vector<16xf32>
    %lt3A_82 = arith.cmpi slt, %get3A_79, %select_n3A_73 : vector<16xi32>
    %and3A_83 = arith.andi %eq3A_81, %lt3A_82 : vector<16xi1>
    %or3A_84 = arith.ori %gt3A_80, %and3A_83 : vector<16xi1>
    %select_n3A_85 = arith.select %or3A_84, %get3A_76, %select_n3A_72 : vector<16xi1>, vector<16xf32>
    %select_n3A_86 = arith.select %or3A_84, %get3A_79, %select_n3A_73 : vector<16xi1>, vector<16xi32>
    %get3A_87 = arith.constant 96 : index
    %get3A_88 = tpu.vector_load %arg11[%get3A_87] {strides = array<i32>} : memref<256xf32, #tpu.memory_space<vmem>>, vector<16xf32>,
    %get3A_89 = vector.shape_cast %get3A_88 : vector<16xf32> to vector<16xf32>
    %get3A_90 = arith.constant 96 : index
    %get3A_91 = tpu.vector_load %arg12[%get3A_90] {strides = array<i32>} : memref<256xi32, #tpu.memory_space<vmem>>, vector<16xi32>,
    %get3A_92 = vector.shape_cast %get3A_91 : vector<16xi32> to vector<16xi32>
    %gt3A_93 = arith.cmpf ogt, %get3A_89, %select_n3A_85 : vector<16xf32>
    %eq3A_94 = arith.cmpf oeq, %get3A_89, %select_n3A_85 : vector<16xf32>
    %lt3A_95 = arith.cmpi slt, %get3A_92, %select_n3A_86 : vector<16xi32>
    %and3A_96 = arith.andi %eq3A_94, %lt3A_95 : vector<16xi1>
    %or3A_97 = arith.ori %gt3A_93, %and3A_96 : vector<16xi1>
    %select_n3A_98 = arith.select %or3A_97, %get3A_89, %select_n3A_85 : vector<16xi1>, vector<16xf32>
    %select_n3A_99 = arith.select %or3A_97, %get3A_92, %select_n3A_86 : vector<16xi1>, vector<16xi32>
    %get3A_100 = arith.constant 112 : index
    %get3A_101 = tpu.vector_load %arg11[%get3A_100] {strides = array<i32>} : memref<256xf32, #tpu.memory_space<vmem>>, vector<16xf32>,
    %get3A_102 = vector.shape_cast %get3A_101 : vector<16xf32> to vector<16xf32>
    %get3A_103 = arith.constant 112 : index
    %get3A_104 = tpu.vector_load %arg12[%get3A_103] {strides = array<i32>} : memref<256xi32, #tpu.memory_space<vmem>>, vector<16xi32>,
    %get3A_105 = vector.shape_cast %get3A_104 : vector<16xi32> to vector<16xi32>
    %gt3A_106 = arith.cmpf ogt, %get3A_102, %select_n3A_98 : vector<16xf32>
    %eq3A_107 = arith.cmpf oeq, %get3A_102, %select_n3A_98 : vector<16xf32>
    %lt3A_108 = arith.cmpi slt, %get3A_105, %select_n3A_99 : vector<16xi32>
    %and3A_109 = arith.andi %eq3A_107, %lt3A_108 : vector<16xi1>
    %or3A_110 = arith.ori %gt3A_106, %and3A_109 : vector<16xi1>
    %select_n3A_111 = arith.select %or3A_110, %get3A_102, %select_n3A_98 : vector<16xi1>, vector<16xf32>
    %select_n3A_112 = arith.select %or3A_110, %get3A_105, %select_n3A_99 : vector<16xi1>, vector<16xi32>
    %get3A_113 = arith.constant 128 : index
    %get3A_114 = tpu.vector_load %arg11[%get3A_113] {strides = array<i32>} : memref<256xf32, #tpu.memory_space<vmem>>, vector<16xf32>,
    %get3A_115 = vector.shape_cast %get3A_114 : vector<16xf32> to vector<16xf32>
    %get3A_116 = arith.constant 128 : index
    %get3A_117 = tpu.vector_load %arg12[%get3A_116] {strides = array<i32>} : memref<256xi32, #tpu.memory_space<vmem>>, vector<16xi32>,
    %get3A_118 = vector.shape_cast %get3A_117 : vector<16xi32> to vector<16xi32>
    %gt3A_119 = arith.cmpf ogt, %get3A_115, %select_n3A_111 : vector<16xf32>
    %eq3A_120 = arith.cmpf oeq, %get3A_115, %select_n3A_111 : vector<16xf32>
    %lt3A_121 = arith.cmpi slt, %get3A_118, %select_n3A_112 : vector<16xi32>
    %and3A_122 = arith.andi %eq3A_120, %lt3A_121 : vector<16xi1>
    %or3A_123 = arith.ori %gt3A_119, %and3A_122 : vector<16xi1>
    %select_n3A_124 = arith.select %or3A_123, %get3A_115, %select_n3A_111 : vector<16xi1>, vector<16xf32>
    %select_n3A_125 = arith.select %or3A_123, %get3A_118, %select_n3A_112 : vector<16xi1>, vector<16xi32>
    %get3A_126 = arith.constant 144 : index
    %get3A_127 = tpu.vector_load %arg11[%get3A_126] {strides = array<i32>} : memref<256xf32, #tpu.memory_space<vmem>>, vector<16xf32>,
    %get3A_128 = vector.shape_cast %get3A_127 : vector<16xf32> to vector<16xf32>
    %get3A_129 = arith.constant 144 : index
    %get3A_130 = tpu.vector_load %arg12[%get3A_129] {strides = array<i32>} : memref<256xi32, #tpu.memory_space<vmem>>, vector<16xi32>,
    %get3A_131 = vector.shape_cast %get3A_130 : vector<16xi32> to vector<16xi32>
    %gt3A_132 = arith.cmpf ogt, %get3A_128, %select_n3A_124 : vector<16xf32>
    %eq3A_133 = arith.cmpf oeq, %get3A_128, %select_n3A_124 : vector<16xf32>
    %lt3A_134 = arith.cmpi slt, %get3A_131, %select_n3A_125 : vector<16xi32>
    %and3A_135 = arith.andi %eq3A_133, %lt3A_134 : vector<16xi1>
    %or3A_136 = arith.ori %gt3A_132, %and3A_135 : vector<16xi1>
    %select_n3A_137 = arith.select %or3A_136, %get3A_128, %select_n3A_124 : vector<16xi1>, vector<16xf32>
    %select_n3A_138 = arith.select %or3A_136, %get3A_131, %select_n3A_125 : vector<16xi1>, vector<16xi32>
    %get3A_139 = arith.constant 160 : index
    %get3A_140 = tpu.vector_load %arg11[%get3A_139] {strides = array<i32>} : memref<256xf32, #tpu.memory_space<vmem>>, vector<16xf32>,
    %get3A_141 = vector.shape_cast %get3A_140 : vector<16xf32> to vector<16xf32>
    %get3A_142 = arith.constant 160 : index
    %get3A_143 = tpu.vector_load %arg12[%get3A_142] {strides = array<i32>} : memref<256xi32, #tpu.memory_space<vmem>>, vector<16xi32>,
    %get3A_144 = vector.shape_cast %get3A_143 : vector<16xi32> to vector<16xi32>
    %gt3A_145 = arith.cmpf ogt, %get3A_141, %select_n3A_137 : vector<16xf32>
    %eq3A_146 = arith.cmpf oeq, %get3A_141, %select_n3A_137 : vector<16xf32>
    %lt3A_147 = arith.cmpi slt, %get3A_144, %select_n3A_138 : vector<16xi32>
    %and3A_148 = arith.andi %eq3A_146, %lt3A_147 : vector<16xi1>
    %or3A_149 = arith.ori %gt3A_145, %and3A_148 : vector<16xi1>
    %select_n3A_150 = arith.select %or3A_149, %get3A_141, %select_n3A_137 : vector<16xi1>, vector<16xf32>
    %select_n3A_151 = arith.select %or3A_149, %get3A_144, %select_n3A_138 : vector<16xi1>, vector<16xi32>
    %get3A_152 = arith.constant 176 : index
    %get3A_153 = tpu.vector_load %arg11[%get3A_152] {strides = array<i32>} : memref<256xf32, #tpu.memory_space<vmem>>, vector<16xf32>,
    %get3A_154 = vector.shape_cast %get3A_153 : vector<16xf32> to vector<16xf32>
    %get3A_155 = arith.constant 176 : index
    %get3A_156 = tpu.vector_load %arg12[%get3A_155] {strides = array<i32>} : memref<256xi32, #tpu.memory_space<vmem>>, vector<16xi32>,
    %get3A_157 = vector.shape_cast %get3A_156 : vector<16xi32> to vector<16xi32>
    %gt3A_158 = arith.cmpf ogt, %get3A_154, %select_n3A_150 : vector<16xf32>
    %eq3A_159 = arith.cmpf oeq, %get3A_154, %select_n3A_150 : vector<16xf32>
    %lt3A_160 = arith.cmpi slt, %get3A_157, %select_n3A_151 : vector<16xi32>
    %and3A_161 = arith.andi %eq3A_159, %lt3A_160 : vector<16xi1>
    %or3A_162 = arith.ori %gt3A_158, %and3A_161 : vector<16xi1>
    %select_n3A_163 = arith.select %or3A_162, %get3A_154, %select_n3A_150 : vector<16xi1>, vector<16xf32>
    %select_n3A_164 = arith.select %or3A_162, %get3A_157, %select_n3A_151 : vector<16xi1>, vector<16xi32>
    %get3A_165 = arith.constant 192 : index
    %get3A_166 = tpu.vector_load %arg11[%get3A_165] {strides = array<i32>} : memref<256xf32, #tpu.memory_space<vmem>>, vector<16xf32>,
    %get3A_167 = vector.shape_cast %get3A_166 : vector<16xf32> to vector<16xf32>
    %get3A_168 = arith.constant 192 : index
    %get3A_169 = tpu.vector_load %arg12[%get3A_168] {strides = array<i32>} : memref<256xi32, #tpu.memory_space<vmem>>, vector<16xi32>,
    %get3A_170 = vector.shape_cast %get3A_169 : vector<16xi32> to vector<16xi32>
    %gt3A_171 = arith.cmpf ogt, %get3A_167, %select_n3A_163 : vector<16xf32>
    %eq3A_172 = arith.cmpf oeq, %get3A_167, %select_n3A_163 : vector<16xf32>
    %lt3A_173 = arith.cmpi slt, %get3A_170, %select_n3A_164 : vector<16xi32>
    %and3A_174 = arith.andi %eq3A_172, %lt3A_173 : vector<16xi1>
    %or3A_175 = arith.ori %gt3A_171, %and3A_174 : vector<16xi1>
    %select_n3A_176 = arith.select %or3A_175, %get3A_167, %select_n3A_163 : vector<16xi1>, vector<16xf32>
    %select_n3A_177 = arith.select %or3A_175, %get3A_170, %select_n3A_164 : vector<16xi1>, vector<16xi32>
    %get3A_178 = arith.constant 208 : index
    %get3A_179 = tpu.vector_load %arg11[%get3A_178] {strides = array<i32>} : memref<256xf32, #tpu.memory_space<vmem>>, vector<16xf32>,
    %get3A_180 = vector.shape_cast %get3A_179 : vector<16xf32> to vector<16xf32>
    %get3A_181 = arith.constant 208 : index
    %get3A_182 = tpu.vector_load %arg12[%get3A_181] {strides = array<i32>} : memref<256xi32, #tpu.memory_space<vmem>>, vector<16xi32>,
    %get3A_183 = vector.shape_cast %get3A_182 : vector<16xi32> to vector<16xi32>
    %gt3A_184 = arith.cmpf ogt, %get3A_180, %select_n3A_176 : vector<16xf32>
    %eq3A_185 = arith.cmpf oeq, %get3A_180, %select_n3A_176 : vector<16xf32>
    %lt3A_186 = arith.cmpi slt, %get3A_183, %select_n3A_177 : vector<16xi32>
    %and3A_187 = arith.andi %eq3A_185, %lt3A_186 : vector<16xi1>
    %or3A_188 = arith.ori %gt3A_184, %and3A_187 : vector<16xi1>
    %select_n3A_189 = arith.select %or3A_188, %get3A_180, %select_n3A_176 : vector<16xi1>, vector<16xf32>
    %select_n3A_190 = arith.select %or3A_188, %get3A_183, %select_n3A_177 : vector<16xi1>, vector<16xi32>
    %get3A_191 = arith.constant 224 : index
    %get3A_192 = tpu.vector_load %arg11[%get3A_191] {strides = array<i32>} : memref<256xf32, #tpu.memory_space<vmem>>, vector<16xf32>,
    %get3A_193 = vector.shape_cast %get3A_192 : vector<16xf32> to vector<16xf32>
    %get3A_194 = arith.constant 224 : index
    %get3A_195 = tpu.vector_load %arg12[%get3A_194] {strides = array<i32>} : memref<256xi32, #tpu.memory_space<vmem>>, vector<16xi32>,
    %get3A_196 = vector.shape_cast %get3A_195 : vector<16xi32> to vector<16xi32>
    %gt3A_197 = arith.cmpf ogt, %get3A_193, %select_n3A_189 : vector<16xf32>
    %eq3A_198 = arith.cmpf oeq, %get3A_193, %select_n3A_189 : vector<16xf32>
    %lt3A_199 = arith.cmpi slt, %get3A_196, %select_n3A_190 : vector<16xi32>
    %and3A_200 = arith.andi %eq3A_198, %lt3A_199 : vector<16xi1>
    %or3A_201 = arith.ori %gt3A_197, %and3A_200 : vector<16xi1>
    %select_n3A_202 = arith.select %or3A_201, %get3A_193, %select_n3A_189 : vector<16xi1>, vector<16xf32>
    %select_n3A_203 = arith.select %or3A_201, %get3A_196, %select_n3A_190 : vector<16xi1>, vector<16xi32>
    %get3A_204 = arith.constant 240 : index
    %get3A_205 = tpu.vector_load %arg11[%get3A_204] {strides = array<i32>} : memref<256xf32, #tpu.memory_space<vmem>>, vector<16xf32>,
    %get3A_206 = vector.shape_cast %get3A_205 : vector<16xf32> to vector<16xf32>
    %get3A_207 = arith.constant 240 : index
    %get3A_208 = tpu.vector_load %arg12[%get3A_207] {strides = array<i32>} : memref<256xi32, #tpu.memory_space<vmem>>, vector<16xi32>,
    %get3A_209 = vector.shape_cast %get3A_208 : vector<16xi32> to vector<16xi32>
    %gt3A_210 = arith.cmpf ogt, %get3A_206, %select_n3A_202 : vector<16xf32>
    %eq3A_211 = arith.cmpf oeq, %get3A_206, %select_n3A_202 : vector<16xf32>
    %lt3A_212 = arith.cmpi slt, %get3A_209, %select_n3A_203 : vector<16xi32>
    %and3A_213 = arith.andi %eq3A_211, %lt3A_212 : vector<16xi1>
    %or3A_214 = arith.ori %gt3A_210, %and3A_213 : vector<16xi1>
    %select_n3A_215 = arith.select %or3A_214, %get3A_206, %select_n3A_202 : vector<16xi1>, vector<16xf32>
    %select_n3A_216 = arith.select %or3A_214, %get3A_209, %select_n3A_203 : vector<16xi1>, vector<16xi32>
    %xor3A = arith.constant 8 : i32
    %xor3A_217 = vector.broadcast %xor3A : i32 to vector<16xi32>
    %xor3A_218 = arith.xori %iota3A, %xor3A_217 : vector<16xi32>
    %broadcast_in_dim3A_219 = vector.shape_cast %xor3A_218 : vector<16xi32> to vector<16x1xi32>
    %gather3A = vector.shape_cast %broadcast_in_dim3A_219 : vector<16x1xi32> to vector<16xi32>
    %gather3A_220 = tpu.dynamic_gather %select_n3A_215[%gather3A] in [0] : vector<16xf32>, vector<16xi32> -> vector<16xf32>
    %broadcast_in_dim3A_221 = vector.shape_cast %xor3A_218 : vector<16xi32> to vector<16x1xi32>
    %gather3A_222 = vector.shape_cast %broadcast_in_dim3A_221 : vector<16x1xi32> to vector<16xi32>
    %gather3A_223 = tpu.dynamic_gather %select_n3A_216[%gather3A_222] in [0] : vector<16xi32>, vector<16xi32> -> vector<16xi32>
    %gt3A_224 = arith.cmpf ogt, %gather3A_220, %select_n3A_215 : vector<16xf32>
    %eq3A_225 = arith.cmpf oeq, %gather3A_220, %select_n3A_215 : vector<16xf32>
    %lt3A_226 = arith.cmpi slt, %gather3A_223, %select_n3A_216 : vector<16xi32>
    %and3A_227 = arith.andi %eq3A_225, %lt3A_226 : vector<16xi1>
    %or3A_228 = arith.ori %gt3A_224, %and3A_227 : vector<16xi1>
    %select_n3A_229 = arith.select %or3A_228, %gather3A_220, %select_n3A_215 : vector<16xi1>, vector<16xf32>
    %select_n3A_230 = arith.select %or3A_228, %gather3A_223, %select_n3A_216 : vector<16xi1>, vector<16xi32>
    %xor3A_231 = arith.constant 4 : i32
    %xor3A_232 = vector.broadcast %xor3A_231 : i32 to vector<16xi32>
    %xor3A_233 = arith.xori %iota3A, %xor3A_232 : vector<16xi32>
    %broadcast_in_dim3A_234 = vector.shape_cast %xor3A_233 : vector<16xi32> to vector<16x1xi32>
    %gather3A_235 = vector.shape_cast %broadcast_in_dim3A_234 : vector<16x1xi32> to vector<16xi32>
    %gather3A_236 = tpu.dynamic_gather %select_n3A_229[%gather3A_235] in [0] : vector<16xf32>, vector<16xi32> -> vector<16xf32>
    %broadcast_in_dim3A_237 = vector.shape_cast %xor3A_233 : vector<16xi32> to vector<16x1xi32>
    %gather3A_238 = vector.shape_cast %broadcast_in_dim3A_237 : vector<16x1xi32> to vector<16xi32>
    %gather3A_239 = tpu.dynamic_gather %select_n3A_230[%gather3A_238] in [0] : vector<16xi32>, vector<16xi32> -> vector<16xi32>
    %gt3A_240 = arith.cmpf ogt, %gather3A_236, %select_n3A_229 : vector<16xf32>
    %eq3A_241 = arith.cmpf oeq, %gather3A_236, %select_n3A_229 : vector<16xf32>
    %lt3A_242 = arith.cmpi slt, %gather3A_239, %select_n3A_230 : vector<16xi32>
    %and3A_243 = arith.andi %eq3A_241, %lt3A_242 : vector<16xi1>
    %or3A_244 = arith.ori %gt3A_240, %and3A_243 : vector<16xi1>
    %select_n3A_245 = arith.select %or3A_244, %gather3A_236, %select_n3A_229 : vector<16xi1>, vector<16xf32>
    %select_n3A_246 = arith.select %or3A_244, %gather3A_239, %select_n3A_230 : vector<16xi1>, vector<16xi32>
    %xor3A_247 = arith.constant 2 : i32
    %xor3A_248 = vector.broadcast %xor3A_247 : i32 to vector<16xi32>
    %xor3A_249 = arith.xori %iota3A, %xor3A_248 : vector<16xi32>
    %broadcast_in_dim3A_250 = vector.shape_cast %xor3A_249 : vector<16xi32> to vector<16x1xi32>
    %gather3A_251 = vector.shape_cast %broadcast_in_dim3A_250 : vector<16x1xi32> to vector<16xi32>
    %gather3A_252 = tpu.dynamic_gather %select_n3A_245[%gather3A_251] in [0] : vector<16xf32>, vector<16xi32> -> vector<16xf32>
    %broadcast_in_dim3A_253 = vector.shape_cast %xor3A_249 : vector<16xi32> to vector<16x1xi32>
    %gather3A_254 = vector.shape_cast %broadcast_in_dim3A_253 : vector<16x1xi32> to vector<16xi32>
    %gather3A_255 = tpu.dynamic_gather %select_n3A_246[%gather3A_254] in [0] : vector<16xi32>, vector<16xi32> -> vector<16xi32>
    %gt3A_256 = arith.cmpf ogt, %gather3A_252, %select_n3A_245 : vector<16xf32>
    %eq3A_257 = arith.cmpf oeq, %gather3A_252, %select_n3A_245 : vector<16xf32>
    %lt3A_258 = arith.cmpi slt, %gather3A_255, %select_n3A_246 : vector<16xi32>
    %and3A_259 = arith.andi %eq3A_257, %lt3A_258 : vector<16xi1>
    %or3A_260 = arith.ori %gt3A_256, %and3A_259 : vector<16xi1>
    %select_n3A_261 = arith.select %or3A_260, %gather3A_252, %select_n3A_245 : vector<16xi1>, vector<16xf32>
    %select_n3A_262 = arith.select %or3A_260, %gather3A_255, %select_n3A_246 : vector<16xi1>, vector<16xi32>
    %xor3A_263 = arith.constant 1 : i32
    %xor3A_264 = vector.broadcast %xor3A_263 : i32 to vector<16xi32>
    %xor3A_265 = arith.xori %iota3A, %xor3A_264 : vector<16xi32>
    %broadcast_in_dim3A_266 = vector.shape_cast %xor3A_265 : vector<16xi32> to vector<16x1xi32>
    %gather3A_267 = vector.shape_cast %broadcast_in_dim3A_266 : vector<16x1xi32> to vector<16xi32>
    %gather3A_268 = tpu.dynamic_gather %select_n3A_261[%gather3A_267] in [0] : vector<16xf32>, vector<16xi32> -> vector<16xf32>
    %broadcast_in_dim3A_269 = vector.shape_cast %xor3A_265 : vector<16xi32> to vector<16x1xi32>
    %gather3A_270 = vector.shape_cast %broadcast_in_dim3A_269 : vector<16x1xi32> to vector<16xi32>
    %gather3A_271 = tpu.dynamic_gather %select_n3A_262[%gather3A_270] in [0] : vector<16xi32>, vector<16xi32> -> vector<16xi32>
    %gt3A_272 = arith.cmpf ogt, %gather3A_268, %select_n3A_261 : vector<16xf32>
    %eq3A_273 = arith.cmpf oeq, %gather3A_268, %select_n3A_261 : vector<16xf32>
    %lt3A_274 = arith.cmpi slt, %gather3A_271, %select_n3A_262 : vector<16xi32>
    %and3A_275 = arith.andi %eq3A_273, %lt3A_274 : vector<16xi1>
    %or3A_276 = arith.ori %gt3A_272, %and3A_275 : vector<16xi1>
    %select_n3A_277 = arith.select %or3A_276, %gather3A_268, %select_n3A_261 : vector<16xi1>, vector<16xf32>
    %select_n3A_278 = arith.select %or3A_276, %gather3A_271, %select_n3A_262 : vector<16xi1>, vector<16xi32>
    %mul3A_279 = arith.constant 50000 : i32
    %mul3A_280 = arith.muli %arg0, %mul3A_279 : i32
    %mul3A_281 = arith.constant 3136 : i32
    %mul3A_282 = arith.muli %arg1, %mul3A_281 : i32
    %min3A_283 = arith.constant 46864 : i32
    %min3A_284 = arith.minsi %mul3A_282, %min3A_283 : i32
    %add3A = arith.addi %mul3A_280, %min3A_284 : i32
    %scan3A_285 = arith.constant 0 : i32
    %scan3A_286 = arith.constant 0 : i32
    %scan3A_287 = arith.constant 196 : i32
    %scan3A_288 = arith.addi %scan3A_286, %scan3A_287 : i32
    %scan3A_289 = arith.constant 1 : i32
    scf.for %scan3A_291 = %scan3A_286 to %scan3A_288 step %scan3A_289  : i32 {
      %mul3A_292 = arith.constant 16 : i32
      %mul3A_293 = arith.muli %scan3A_291, %mul3A_292 : i32
      %add3A_294 = arith.addi %add3A, %mul3A_293 : i32
      %add3A_295 = vector.broadcast %add3A_294 : i32 to vector<16xi32>
      %add3A_296 = arith.addi %add3A_295, %iota3A : vector<16xi32>
      %eq3A_297 = arith.cmpi eq, %add3A_296, %select_n3A_278 : vector<16xi32>
      %jit3A = arith.constant 0.000000e+00 : f32
      %jit3A_298 = arith.constant 1.000000e+03 : f32
      %broadcast_in_dim3A_299 = vector.broadcast %jit3A : f32 to vector<16xf32>
      %broadcast_in_dim3A_300 = vector.broadcast %jit3A_298 : f32 to vector<16xf32>
      %select_n3A_301 = arith.select %eq3A_297, %broadcast_in_dim3A_299, %broadcast_in_dim3A_300 : vector<16xi1>, vector<16xf32>
      %swap3A_302 = arith.index_cast %mul3A_293 : i32 to index
      %swap3A_303 = tpu.vector_load %arg13[%swap3A_302] {strides = array<i32>} : memref<3136xf32, #tpu.memory_space<vmem>>, vector<16xf32>,
      %swap3A_304 = vector.shape_cast %swap3A_303 : vector<16xf32> to vector<16xf32>
      %swap3A_305 = vector.shape_cast %select_n3A_301 : vector<16xf32> to vector<16xf32>
      tpu.vector_store %arg13[%swap3A_302], %swap3A_305 {strides = array<i32>} : memref<3136xf32, #tpu.memory_space<vmem>>, vector<16xf32>,
    }
    %scan3A_290 = arith.constant 196 : i32
    "tpu.region"() ({
      %run_scoped3A = tpu.sem_alloc : memref<!tpu.dma_semaphore, #tpu.memory_space<semaphore_mem>>
      %dma_start3A_291 = tpu.memref_slice %arg4[%add3A] : memref<100000xf32, #tpu.memory_space<hbm>> -> memref<3136xf32, #tpu.memory_space<hbm>>
      %dma_start3A_292 = tpu.memref_slice %arg4[%add3A] : memref<100000xf32, #tpu.memory_space<hbm>> -> memref<3136xf32, #tpu.memory_space<hbm>>
      tpu.enqueue_dma source(%arg13 : memref<3136xf32, #tpu.memory_space<vmem>>) target(%dma_start3A_292 : memref<3136xf32, #tpu.memory_space<hbm>>) target_semaphore(%run_scoped3A : memref<!tpu.dma_semaphore, #tpu.memory_space<semaphore_mem>>)
      %dma_wait3A_293 = tpu.memref_slice %arg4[%add3A] : memref<100000xf32, #tpu.memory_space<hbm>> -> memref<3136xf32, #tpu.memory_space<hbm>>
      %dma_wait3A_294 = tpu.memref_slice %arg4[%add3A] : memref<100000xf32, #tpu.memory_space<hbm>> -> memref<3136xf32, #tpu.memory_space<hbm>>
      tpu.wait_dma2 semaphore(%run_scoped3A : memref<!tpu.dma_semaphore, #tpu.memory_space<semaphore_mem>>) src(%arg13 : memref<3136xf32, #tpu.memory_space<vmem>>) dst(%dma_wait3A_294 : memref<3136xf32, #tpu.memory_space<hbm>>)
      tpu.yield
    }) : () -> ()
    return
  }
}

module attributes {stable_mosaic.version = 14 : i64} {
  func.func @_tc_gather_body(%arg0: i32, %arg1: memref<1xi32, #tpu.memory_space<smem>>, %arg2: memref<5000x128xf32, #tpu.memory_space<vmem>>, %arg3: memref<5000x1xf32, #tpu.memory_space<vmem>>) attributes {dimension_semantics = [#tpu.dimension_semantics<arbitrary>], iteration_bounds = array<i64: 20>, scalar_prefetch = 1 : i64, scratch_operands = 0 : i64, tpu.core_type = #tpu.core_type<tc>, window_params = [{transform_indices = @transform_0, window_bounds = array<i64: 5000, 128>}, {transform_indices = @transform_1, window_bounds = array<i64: 5000, 1>}]} {
    %get3A = arith.constant 0 : index
    %get3A_0 = memref.load %arg1[%get3A] : memref<1xi32, #tpu.memory_space<smem>>
    %jit3A = arith.constant 128 : i32
    %eq3A = arith.constant 0 : i32
    %eq3A_1 = arith.cmpi eq, %jit3A, %eq3A : i32
    %jit3A_2 = arith.constant 1 : i32
    %select_n3A = arith.select %eq3A_1, %jit3A_2, %jit3A : i32
    %rem3A = arith.remsi %get3A_0, %select_n3A : i32
    %ne3A = arith.constant 0 : i32
    %ne3A_3 = arith.cmpi ne, %rem3A, %ne3A : i32
    %lt3A = arith.constant 0 : i32
    %lt3A_4 = arith.cmpi slt, %rem3A, %lt3A : i32
    %lt3A_5 = arith.constant 0 : i32
    %lt3A_6 = arith.cmpi slt, %select_n3A, %lt3A_5 : i32
    %ne3A_7 = arith.xori %lt3A_4, %lt3A_6 : i1
    %and3A = arith.andi %ne3A_7, %ne3A_3 : i1
    %add3A = arith.addi %rem3A, %select_n3A : i32
    %select_n3A_8 = arith.select %and3A, %add3A, %rem3A : i32
    %iota3A = tpu.iota {dimensions = array<i32: 1>} : vector<5000x128xi32>
    %get3A_9 = arith.constant 0 : index
    %get3A_10 = arith.constant 0 : index
    %get3A_11 = vector.load %arg2[%get3A_9, %get3A_10] : memref<5000x128xf32, #tpu.memory_space<vmem>>, vector<5000x128xf32>
    %eq3A_12 = vector.broadcast %select_n3A_8 : i32 to vector<5000x128xi32>
    %eq3A_13 = arith.cmpi eq, %iota3A, %eq3A_12 : vector<5000x128xi32>
    %jit3A_14 = arith.constant 0.000000e+00 : f32
    %broadcast_in_dim3A = vector.broadcast %jit3A_14 : f32 to vector<5000x128xf32>
    %select_n3A_15 = arith.select %eq3A_13, %get3A_11, %broadcast_in_dim3A : vector<5000x128xi1>, vector<5000x128xf32>
    %reduce_sum3A = arith.constant dense<0.000000e+00> : vector<5000xf32>
    %reduce_sum3A_16 = vector.multi_reduction <add>, %select_n3A_15, %reduce_sum3A [1] : vector<5000x128xf32> to vector<5000xf32>
    %broadcast_in_dim3A_17 = vector.shape_cast %reduce_sum3A_16 : vector<5000xf32> to vector<5000x1xf32>
    %swap3A = arith.constant 0 : index
    %swap3A_18 = arith.constant 0 : index
    %swap3A_19 = vector.load %arg3[%swap3A, %swap3A_18] : memref<5000x1xf32, #tpu.memory_space<vmem>>, vector<5000x1xf32>
    tpu.vector_store %arg3[%swap3A, %swap3A_18], %broadcast_in_dim3A_17 {strides = array<i32>} : memref<5000x1xf32, #tpu.memory_space<vmem>>, vector<5000x1xf32>,
    return
  }
  func.func @transform_0(%arg0: i32, %arg1: memref<1xi32, #tpu.memory_space<smem>>) -> (i32, i32) {
    %get3A = arith.constant 0 : index
    %get3A_0 = memref.load %arg1[%get3A] : memref<1xi32, #tpu.memory_space<smem>>
    %jit3A = arith.constant 128 : i32
    %div3A = arith.divsi %get3A_0, %jit3A : i32
    %sign3A = arith.constant 0 : i32
    %sign3A_1 = arith.cmpi sgt, %get3A_0, %sign3A : i32
    %sign3A_2 = arith.extui %sign3A_1 : i1 to i32
    %sign3A_3 = arith.constant 0 : i32
    %sign3A_4 = arith.cmpi slt, %get3A_0, %sign3A_3 : i32
    %sign3A_5 = arith.extui %sign3A_4 : i1 to i32
    %sign3A_6 = arith.subi %sign3A_2, %sign3A_5 : i32
    %sign3A_7 = arith.constant 0 : i32
    %sign3A_8 = arith.cmpi sgt, %jit3A, %sign3A_7 : i32
    %sign3A_9 = arith.extui %sign3A_8 : i1 to i32
    %sign3A_10 = arith.constant 0 : i32
    %sign3A_11 = arith.cmpi slt, %jit3A, %sign3A_10 : i32
    %sign3A_12 = arith.extui %sign3A_11 : i1 to i32
    %sign3A_13 = arith.subi %sign3A_9, %sign3A_12 : i32
    %ne3A = arith.cmpi ne, %sign3A_6, %sign3A_13 : i32
    %rem3A = arith.remsi %get3A_0, %jit3A : i32
    %ne3A_14 = arith.constant 0 : i32
    %ne3A_15 = arith.cmpi ne, %rem3A, %ne3A_14 : i32
    %and3A = arith.andi %ne3A, %ne3A_15 : i1
    %sub3A = arith.constant 1 : i32
    %sub3A_16 = arith.subi %div3A, %sub3A : i32
    %select_n3A = arith.select %and3A, %sub3A_16, %div3A : i32
    %c0_i32 = arith.constant 0 : i32
    return %arg0, %select_n3A : i32, i32
  }
  func.func @transform_1(%arg0: i32, %arg1: memref<1xi32, #tpu.memory_space<smem>>) -> (i32, i32) {
    %c0_i32 = arith.constant 0 : i32
    %c0_i32_0 = arith.constant 0 : i32
    return %arg0, %c0_i32 : i32, i32
  }
}

</mosaic_0001>

<sc_bundles>
// kernel: kernel.4.cloned.1.call-start
scs
__scs_entry_jumppad:
0x0: {  	(pc) =	sbr.rel $0x88, $3  }
0x1: {  	(tag) =	ssettag $0x0;
	lr =	simm.s32 $0x1  }
0x2: {  	[smem:$0x3F9F] =	sst lr;
	_ =	strace $0xD0000000  }
0x3: {  	_ = 	snop  }
0x4: {  	_ = 	snop  }
0x5: {  	_ = 	snop  }
0x6: {  	_ = 	snop  }
0x7: {  	_ = 	snop  }
__scs_overlays_trampoline_lowered:
0x8: {  	[smem:$0x3FAE] =	sst s0  }
0x9: {  	[smem:$0x3FAF] =	sst s1  }
0xa: {  	[smem:$0x3FB0] =	sst s2  }
0xb: {  	[smem:$0x3FB1] =	sst s3  }
0xc: {  	[smem:$0x3FB2] =	sst s4  }
0xd: {  	[smem:$0x3FB3] =	sst s5  }
0xe: {  	[smem:$0x3FB4] =	sst s6  }
0xf: {  	[smem:$0x3FB5] =	sst s7  }
0x10: {  	[smem:$0x3FB6] =	sst s8  }
0x11: {  	[smem:$0x3FB7] =	sst s9;
	s0 =	simm.s32 @!p0 $0x0  }
0x12: {  	s1 =	sld [smem:$0x3F9D];
	s0 =	simm.s32 @p0 $0x1  }
0x13: {  	[smem:$0x3FB8] =	sst s0;
	s0 =	simm.s32 @!p1 $0x0  }
0x14: {  	s2 =	sld [smem:$0x3F9C];
	s0 =	simm.s32 @p1 $0x1  }
0x15: {  	[smem:$0x3FB9] =	sst s0;
	s0 =	simm.s32 @!p2 $0x0  }
0x16: {  	s3 =	sld [smem:$0x3FDB];
	s0 =	simm.s32 @p2 $0x1  }
0x17: {  	s4 =	simm.s32 $0x1BF5;
	[smem:$0x3FBB] =	sst s0  }
0x18: {  	s0 =	sld [smem:$0x3F9E];
	_ =	swait.ge [sflag:s4], $0x0  }
0x19: {  	s7 =	sld [smem:$0x3F9F]  }
0x1a: {  	s8 =	sadd.s32 $0xFFFFE003, lr  }
0x1b: {  	s9 =	sadd.s32 $0xFFFFFEF7, lr;
	s5 =	simm.s32 $0xFFFFFFFF;
	p2 =	slt.u32 s8, $0xFFFFF086  }
0x1c: {  	p1 =	slt.u32 s9, $0xF7A;
	s5 =	simm.s32 @!p2 $0x0  }
0x1d: {  	s5 =	simm.s32 @p1 $0x1;
	p0 =	seq.s32 s7, s2  }
0x1e: {  	s7 =	smul.u32 @!p0 $0xF7A, s2;
	p2 =	seq.s32 @!p0 s5, $0x0  }
0x1f: {  	s9 =	smul.u32 $0xF7A, s1;
	s8 =	simm.s32 @!p0 $0x1BF5;
	p2 =	por !p2, p0  }
0x20: {  	[sflag:s8] =	ssyncset.s32 @!p0 $0xFFFFF086;
	s6 =	sadd.s32 @!p0 s3, s7;
	s7 =	simm.s32 @!p0 $0x108  }
0x21: {  	s3 =	sadd.s32 s3, s9;
	s6 =	sadd.s32 @!p0 $0x88, s6;
	s7 =	simm.s32 @p2 $0x1082  }
0x22: {  	[simem:s7], [sflag:s8] =	dma.local @!p0 [hbm:s6], $0xF7A  }
0x23: {  	s9 =	sor.u32 $0xD0000000, s2;
	s6 =	simm.s32 $0x108;
	_ =	swait.ge @!p0 [sflag:s8], $0x0  }
0x24: {  	s3 =	sadd.s32 $0x88, s3;
	s6 =	simm.s32 @!p1 $0x1082;
	[sflag:s4] =	ssyncset.s32 $0xFFFFF086  }
0x25: {  	[simem:s6], [sflag:s4] =	dma.local [hbm:s3], $0xF7A  }
0x26: {  	[smem:$0x3F9F] =	sst s1;
	(tag) =	ssettag s2;
	_ =	strace s9  }
0x27: {  	s1 =	sld [smem:$0x3FAF]  }
0x28: {  	s2 =	sld [smem:$0x3FB0]  }
0x29: {  	s4 =	sld [smem:$0x3FB2]  }
0x2a: {  	p0 =	seq.s32 s5, $0x0;
	s5 =	sld [smem:$0x3FB3]  }
0x2b: {  	s6 =	sld [smem:$0x3FB4]  }
0x2c: {  	s7 =	sld [smem:$0x3FB5]  }
0x2d: {  	s3 =	simm.s32 $0x108;
	s8 =	sld [smem:$0x3FB6]  }
0x2e: {  	s3 =	simm.s32 @!p0 $0x1082;
	s9 =	sld [smem:$0x3FB7]  }
0x2f: {  	lr =	sadd.s32 s0, s3;
	s0 =	sld [smem:$0x3FAE]  }
0x30: {  	s3 =	sld [smem:$0x3FB1]  }
0x31: {  	[smem:$0x3FBA] =	sst s10  }
0x32: {  	s10 =	sld [smem:$0x3FB8];
	_ =	sdelay $0x3  }
0x33: {  	p0 =	seq.s32 s10, $0x1;
	s10 =	sld [smem:$0x3FBA];
	_ =	sdelay $0x3  }
0x34: {  	[smem:$0x3FBA] =	sst s10  }
0x35: {  	s10 =	sld [smem:$0x3FB9];
	_ =	sdelay $0x3  }
0x36: {  	p1 =	seq.s32 s10, $0x1;
	s10 =	sld [smem:$0x3FBA];
	_ =	sdelay $0x3  }
0x37: {  	[smem:$0x3FBA] =	sst s10  }
0x38: {  	s10 =	sld [smem:$0x3FBB]  }
0x39: {  	_ = 	snop;
	(pc) =	sbr.ind lr, $3  }
0x3a: {  	_ = 	snop  }
0x3b: {  	_ = 	snop  }
0x3c: {  	p2 =	seq.s32 s10, $0x1;
	s10 =	sld [smem:$0x3FBA]  }
0x3d: {  	_ =	shalt  }
0x3e: {  	_ =	shalt  }
0x3f: {  	_ =	shalt  }
0x40: {  	_ =	shalt  }
0x41: {  	_ =	shalt  }
0x42: {  	_ =	shalt  }
0x43: {  	_ =	shalt  }
0x44: {  	_ =	shalt  }
0x45: {  	_ =	shalt  }
0x46: {  	_ =	shalt  }
0x47: {  	_ =	shalt  }
0x48: {  	_ =	shalt  }
0x49: {  	_ =	shalt  }
0x4a: {  	_ =	shalt  }
0x4b: {  	_ =	shalt  }
0x4c: {  	_ =	shalt  }
0x4d: {  	_ =	shalt  }
0x4e: {  	_ =	shalt  }
0x4f: {  	_ =	shalt  }
0x50: {  	_ =	shalt  }
0x51: {  	_ =	shalt  }
0x52: {  	_ =	shalt  }
0x53: {  	_ =	shalt  }
0x54: {  	_ =	shalt  }
0x55: {  	_ =	shalt  }
0x56: {  	_ =	shalt  }
0x57: {  	_ =	shalt  }
0x58: {  	_ =	shalt  }
0x59: {  	_ =	shalt  }
0x5a: {  	_ =	shalt  }
0x5b: {  	_ =	shalt  }
0x5c: {  	_ =	shalt  }
0x5d: {  	_ =	shalt  }
0x5e: {  	_ =	shalt  }
0x5f: {  	_ =	shalt  }
0x60: {  	_ =	shalt  }
0x61: {  	_ =	shalt  }
0x62: {  	_ =	shalt  }
0x63: {  	_ =	shalt  }
0x64: {  	_ =	shalt  }
0x65: {  	_ =	shalt  }
0x66: {  	_ =	shalt  }
0x67: {  	_ =	shalt  }
0x68: {  	_ =	shalt  }
0x69: {  	_ =	shalt  }
0x6a: {  	_ =	shalt  }
0x6b: {  	_ =	shalt  }
0x6c: {  	_ =	shalt  }
0x6d: {  	_ =	shalt  }
0x6e: {  	_ =	shalt  }
0x6f: {  	_ =	shalt  }
0x70: {  	_ =	shalt  }
0x71: {  	_ =	shalt  }
0x72: {  	_ =	shalt  }
0x73: {  	_ =	shalt  }
0x74: {  	_ =	shalt  }
0x75: {  	_ =	shalt  }
0x76: {  	_ =	shalt  }
0x77: {  	_ =	shalt  }
0x78: {  	_ =	shalt  }
0x79: {  	_ =	shalt  }
0x7a: {  	_ =	shalt  }
0x7b: {  	_ =	shalt  }
0x7c: {  	_ =	shalt  }
0x7d: {  	_ =	shalt  }
0x7e: {  	_ =	shalt  }
0x7f: {  	_ =	shalt  }
0x80: {  	_ =	shalt  }
0x81: {  	_ =	shalt  }
0x82: {  	_ =	shalt  }
0x83: {  	_ =	shalt  }
0x84: {  	_ =	shalt  }
0x85: {  	_ =	shalt  }
0x86: {  	_ =	shalt  }
0x87: {  	_ =	shalt  }
.Lfunc_end0:
.L_simem_size_0:
called_computation_lowered:
.L_overlay_start_0:
0x88: {  	s2 =	sld [smem:$0x3FD9]  }
0x89: {  	s3 =	sld [smem:$0x3FFE];
	_ =	sdelay $0x1  }
0x8a: {  	s1 =	srdreg.scid  }
0x8b: {  	s0 =	sand.u32 $0x1, s1  }
0x8c: {  	s17 =	sshll.u32 s0, $0xA;
	s2 =	sadd.s32 s3, s2  }
0x8d: {  	s2 =	sadd.s32 s2, s17  }
0x8e: {  	[smem:$0x3FC6] =	sst s2  }
0x8f: {  	_ = 	snop  }
0x90: {  	s2 =	sld [smem:$0x3FD0];
	(tm) =	ssettm $0x1  }
0x91: {  	s18 =	sld [smem:$0x3FFB];
	_ =	sdelay $0x3  }
0x92: {  	_ =	strace s18  }
0x93: {  	s3 =	sld [smem:$0x3FFC];
	_ =	sdelay $0x3  }
0x94: {  	_ =	strace s3  }
0x95: {  	s3 =	sld [smem:$0x3FFD];
	_ =	sdelay $0x3  }
0x96: {  	_ =	strace s3  }
0x97: {  	_ =	strace $0x8FFFFFFF  }
0x98: {  	s19 =	sld [smem:$0x3FDB];
	_ =	sdelay $0x1  }
0x99: {  	s4 =	simm.s32 $_scs_section_size  }
0x9a: {  	s5 =	simm.s32 $_size__tile_overlayer_lowered;
	s6 =	simm.s32 $_tile_overlayer_lowered  }
0x9b: {  	s22 =	simm.s32 $0x1BFF;
	s21 =	sshll.u32 s6, $0x1;
	s3 =	sadd.s32 s4, s19  }
0x9c: {  	s7 =	simm.s32 $0x0;
	s20 =	sshll.u32 s5, $0x1;
	s5 =	sadd.s32 s21, s3  }
0x9d: {  	[timem:s7], [sflag:s22] =	dma.local [hbm:s5], s20  }
0x9e: {  	_ =	swait.ge [sflag:s22], s20  }
0x9f: {  	s4 =	ssub.s32 $0x0, s20;
	[sflag:s22] =	ssyncset.done $0x0  }
0xa0: {  	[sflag:s22] =	ssyncadd.s32 s4;
	_ =	sdelay $0x1  }
0xa1: {  	s23 =	simm.s32 $0x1B8B  }
0xa2: {  	_ =	swait.ge [sflag:s23], $0x1  }
0xa3: {  	[sflag:s23] =	ssyncset.done $0x0  }
0xa4: {  	s25 =	simm.s32 $0x1B8E;
	s24 =	sld [smem:$0x3FFE];
	[sflag:s23] =	ssyncadd.s32 $0xFFFFFFFF  }
0xa5: {  	s26 =	simm.s32 $execute0_lowered;
	[smem:$0x3FD2] =	sst s25  }
0xa6: {  	s5 =	sshll.u32 s26, $0x1;
	_ =	strace $0x80000046;
	[dreg:$0x1] =	wrdreg $0xFFFFFFFF  }
0xa7: {  	s28 =	simm.s32 $_size_execute0_lowered;
	s3 =	sadd.s32 s3, s5;
	[dreg:$0x0] =	wrdreg $0x0  }
0xa8: {  	s5 =	sshll.u32 s28, $0x1;
	[dreg:$0x2] =	wrdreg s3  }
0xa9: {  	[dreg:$0x3] =	wrdreg s5  }
0xaa: {  	[dreg:$0x4] =	wrdreg $0xC0  }
0xab: {  	_ =	task [dreg:s7], $0x5FFFF  }
0xac: {  	[dreg:$0x1] =	wrdreg $0xFFFFFFFF  }
0xad: {  	[dreg:$0x0] =	wrdreg $0x60  }
0xae: {  	[dreg:$0x2] =	wrdreg s24  }
0xaf: {  	[dreg:$0x3] =	wrdreg s2  }
0xb0: {  	[dreg:$0x4] =	wrdreg $0x32000  }
0xb1: {  	[dreg:$0x5] =	wrdreg $0x32100  }
0xb2: {  	[dreg:$0x6] =	wrdreg $0x9  }
0xb3: {  	_ =	task.clear_ibuf [dreg:s7], $0x7FFFF;
	_ =	strace $0x90000046  }
0xb4: {  	s29 =	simm.s32 $0x9;
	_ =	strace $0x80000048  }
0xb5: {  	_ =	swait.ge [sflag:s29], $0x1  }
0xb6: {  	[sflag:s29] =	ssyncadd.s32 $0xFFFFFFFF  }
0xb7: {  	_ =	strace $0x90000048  }
0xb8: {  	_ =	sfence  }
0xb9: {  	s30 =	sld [smem:$0x0];
	_ =	sdelay $0x2  }
0xba: {  	s31 =	sshll.u32 s1, $0xD;
	s1 =	sshrl.u32 s1, $0x2  }
0xbb: {  	s3 =	sand.u32 $0x4000, s31;
	s1 =	sadd.s32 s1, s30  }
0xbc: {  	s0 =	sor.u32 s3, s0;
	s1 =	sshll.u32 s1, $0x11  }
0xbd: {  	s0 =	sor.u32 s1, s0  }
0xbe: {  	s0 =	sadd.s32 $0x8F2B, s0  }
0xbf: {  	[sflag:s0] =	ssyncadd.remote.s32 $0x1  }
0xc0: {  	_ =	sfence.sel $0xFFFF  }
0xc1: {  	[dreg:$0x0] =	wrdreg $0xFFFFFFFF;
	(pc) =	sbr.abs _section_cstart, $3  }
0xc2: {  	[dreg:$0x1] =	wrdreg $0xFFFFFFFF  }
0xc3: {  	_ =	task.clear_ibuf [dreg:s7], $0x2FFFF;
	_ =	strace $0x9FFFFFFF  }
0xc4: {  	(tm) =	ssettm $0x7FFFFFFF  }
0xc5: {  	_ =	shalt  }
tec
execute0_lowered:
.L_overlay_start_1:
0x0: {  	(tag) =	ssettag $0x1  }
0x1: {  	s6 =	rddreg [dreg:$0x0]  }
0x2: {  	s11 =	rddreg [dreg:$0x1]  }
0x3: {  	s1 =	rddreg [dreg:$0x2]  }
0x4: {  	s3 =	rddreg [dreg:$0x3];
	v0 =	vimm.s32 $0xFEDCBA98  }
0x5: {  	s0 =	rddreg [dreg:$0x4];
	s4 =	simm.s32 $0x0;
	v1 =	vimm.s32 $0x76543210;
	v2 =	vimm.s32 $0xBA98FEDC;
	v3 =	vimm.s32 $0x32107654  }
0x6: {  	s2 =	stileid.u32;
	s5 =	srdreg.scid;
	v4 =	vimm.s32 $0xDCFE98BA;
	v5 =	vimm.s32 $0x54761032;
	v6 =	vimm.s32 $0xEFCDAB89;
	s15 =	simm.s32 $0x1  }
0x7: {  	v7 =	vimm.s32 $0x67452301;
	s16 =	simm.s32 $0x3100;
	s17 =	simm.s32 $0x3180;
	s18 =	simm.s32 $0x3220  }
0x8: {  	s19 =	simm.s32 $0x3320;
	s20 =	simm.s32 $0x3420;
	s21 =	simm.s32 $0x0;
	v0 =	vunpack.c.l.s4.s8 v0;
	v1 =	vunpack.c.l.s4.s8 v1;
	v2 =	vunpack.c.l.s4.s8 v2  }
0x9: {  	[smem:$0x7FF] =	sst s4;
	s7 =	smul.u32 $0x1880, s2;
	s8 =	sand.u32 $0x1, s5;
	v3 =	vunpack.c.l.s4.s8 v3;
	v4 =	vunpack.c.l.s4.s8 v4;
	v5 =	vunpack.c.l.s4.s8 v5  }
0xa: {  	s30 =	smul.u32 $0xC40, s2;
	v6 =	vunpack.c.l.s4.s8 v6;
	v7 =	vunpack.c.l.s4.s8 v7;
	s13 =	sshll.u32 s2, $0x4;
	_ =	strace $0x80000047;
	v0 =	vunpack.c.0.s8.s32 v0  }
0xb: {  	s9 =	smul.u32 $0xC350, s8;
	s29 =	ssub.s32 $0x2, s8;
	s5 =	smin.u32 s7, $0x16E20;
	v2 =	vunpack.c.0.s8.s32 v2;
	v3 =	vunpack.c.0.s8.s32 v3;
	v4 =	vunpack.c.0.s8.s32 v4  }
0xc: {  	s12 =	sshrl.u32 s29, $0x1;
	s31 =	smin.u32 s30, $0xB710;
	v5 =	vunpack.c.0.s8.s32 v5;
	v6 =	vunpack.c.0.s8.s32 v6;
	v7 =	vunpack.c.0.s8.s32 v7;
	s10 =	sshrl.u32 s5, $0x3  }
0xd: {  	v1 =	vunpack.c.0.s8.s32 v1;
	s12 =	ssub.s32 s29, s12;
	s7 =	sadd.s32 s9, s31;
	s9 =	sadd.s32 s13, s1;
	v2 =	vcombine.low v3, v2  }
0xe: {  	s10 =	sadd.s32 s10, s6;
	s14 =	sshrl.u32 s7, $0x3;
	s12 =	smax.u32 s12, $0x1;
	v3 =	vcombine.low v5, v4;
	v4 =	vand.u32 $0xF, v0;
	v5 =	vcombine.low v7, v6  }
0xf: {  	v0 =	vlaneseq.u32;
	s6 =	sadd.s32 $0x186C00, s10;
	s8 =	sadd.s32 $0x200, s10;
	s10 =	sadd.s32 s13, s3;
	v1 =	vcombine.low v4, v1;
	v2 =	vand.u32 $0xF, v2  }
0x10: {  	s11 =	sadd.s32 s11, s14;
	s13 =	simm.s32 $0x1880;
	s14 =	simm.s32 $0x2;
	v3 =	vand.u32 $0xF, v3;
	v4 =	vand.u32 $0xF, v5;
	v5 =	vimm.f32 $1.000000000e+03  }
.LBB2_1:
0x11: {  	[tilespmem:s4], [sflag:$0x1] =	stream.linear.gather [hbm4b:s6+s4], $0x1880, $0x38;
	[tilespmem:$0x40A0] =	vst v63  }
0x12: {  	_ = 	snop  }
0x13: {  	[tilespmem:s13], [sflag:$0x2] =	stream.linear.gather [hbm4b:s8+s4], $0x1880, $0x38;
	[tilespmem:$0x40A0] =	vst v63  }
0x14: {  	_ =	swait.ge [sflag:s14], $0x1880  }
0x15: {  	[sflag:s14] =	ssyncset.done $0x0  }
0x16: {  	[sflag:s14] =	ssyncadd.s32 $0xFFFFE780  }
0x17: {  	_ =	swait.ge [sflag:s15], $0x1880  }
0x18: {  	[sflag:s15] =	ssyncset.done $0x0  }
0x19: {  	s22 =	simm.s32 $0x0;
	[sflag:s15] =	ssyncadd.s32 $0xFFFFE780  }
0x1a: {  	v6 =	vld [tilespmem:s22+$0x0]  }
0x1b: {  	v7 =	vld [tilespmem:s22+$0x1880];
	_ =	sdelay $0x3  }
0x1c: {  	s23 =	simm.s32 $0x10  }
0x1d: {  	v9 =	vld [tilespmem:s23+$0x0];
	v8 =	vmul.f32 v7, v6  }
0x1e: {  	v10 =	vor.u32 s5, v0;
	v11 =	vld [tilespmem:s23+$0x1880];
	v6 =	vimm.f32 $-Inf;
	v7 =	vimm.s32 $0x0  }
0x1f: {  	vm1 =	vlt.s32 v10, v7;
	vm0 =	veq.f32 v8, v6  }
0x20: {  	vm2 =	vgt.f32 v8, v6;
	vm0 =	vmand vm1, vm0  }
0x21: {  	s22 =	simm.s32 $0x80;
	s23 =	smov.u32 s5;
	vm0 =	vmor vm2, vm0  }
.LBB2_2:
0x22: {  	s24 =	sshra.s32 s22, $0x2;
	v6 =	vsel vm0, v8, v6;
	v7 =	vsel vm0, v10, v7;
	p0 =	sne.s32 s22, $0x61C0  }
.Ltmp0:
0x23: {  	s22 =	sadd.s32 $0x40, s22;
	s23 =	sadd.s32 $0x10, s23;
	v8 =	vmul.f32 v11, v9;
	v9 =	vld [tilespmem:s24+$0x0];
	(pc) =	sbr.rel @p0 .LBB2_2-.Ltmp0, $4  }
0x24: {  	v10 =	vor.u32 s23, v0;
	v11 =	vld [tilespmem:s24+$0x1880]  }
0x25: {  	vm1 =	vlt.s32 v10, v7;
	vm0 =	veq.f32 v8, v6  }
0x26: {  	vm2 =	vgt.f32 v8, v6;
	vm0 =	vmand vm1, vm0  }
0x27: {  	vm0 =	vmor vm2, vm0  }
0x28: {  	_ = 	snop  }
0x29: {  	s22 =	sadd.s32 $0x10, s23;
	v9 =	vmul.f32 v11, v9  }
0x2a: {  	v6 =	vsel vm0, v8, v6;
	v7 =	vsel vm0, v10, v7;
	v8 =	vor.u32 s22, v0  }
0x2b: {  	vm1 =	vlt.s32 v8, v7;
	vm6 =	veq.f32 v9, v6  }
0x2c: {  	vm2 =	vgt.f32 v9, v6;
	vm0 =	vmand vm1, vm6  }
0x2d: {  	vm0 =	vmor vm2, vm0  }
0x2e: {  	v6 =	vsel vm0, v9, v6  }
0x2f: {  	v7 =	vsel vm0, v8, v7;
	[tilespmem:$0x3100] =	vst v6  }
0x30: {  	[tilespmem:$0x3180] =	vst v7  }
0x31: {  	[spmem:s9] =	stream.linear.scatter [tilespmem:s16], [sflag:$0x2], $0x10, $0x38;
	[tilespmem:$0x40A0] =	vst v63  }
0x32: {  	_ =	swait.ge [sflag:s14], $0x10  }
0x33: {  	[sflag:s14] =	ssyncset.done $0x0  }
0x34: {  	[sflag:s14] =	ssyncadd.s32 $0xFFFFFFF0  }
0x35: {  	[spmem:s10] =	stream.linear.scatter [tilespmem:s17], [sflag:$0x2], $0x10, $0x38;
	[tilespmem:$0x40A0] =	vst v63  }
0x36: {  	_ =	swait.ge [sflag:s14], $0x10  }
0x37: {  	[sflag:s14] =	ssyncset.done $0x0  }
0x38: {  	[sflag:s14] =	ssyncadd.s32 $0xFFFFFFF0  }
0x39: {  	[bflag:$0x0] =	sbarrier.arrive $0xFFFF  }
0x3a: {  	[tilespmem:s18], [sflag:$0x2] =	stream.linear.gather [spmem:s1], $0x100, $0x38;
	[tilespmem:$0x40A0] =	vst v63  }
0x3b: {  	_ =	swait.ge [sflag:s14], $0x100  }
0x3c: {  	[sflag:s14] =	ssyncset.done $0x0  }
0x3d: {  	[sflag:s14] =	ssyncadd.s32 $0xFFFFFF00  }
0x3e: {  	[tilespmem:s19], [sflag:$0x2] =	stream.linear.gather [spmem:s3], $0x100, $0x38;
	[tilespmem:$0x40A0] =	vst v63  }
0x3f: {  	_ =	swait.ge [sflag:s14], $0x100  }
0x40: {  	[sflag:s14] =	ssyncset.done $0x0  }
0x41: {  	[sflag:s14] =	ssyncadd.s32 $0xFFFFFF00  }
0x42: {  	v6 =	vld [tilespmem:$0x3220]  }
0x43: {  	v7 =	vld [tilespmem:$0x3320]  }
0x44: {  	v8 =	vld [tilespmem:$0x3230]  }
0x45: {  	v42 =	vld [tilespmem:$0x3330];
	_ =	sdelay $0x2  }
0x46: {  	v43 =	vld [tilespmem:$0x3240]  }
0x47: {  	v44 =	vld [tilespmem:$0x3340]  }
0x48: {  	vm7 =	veq.f32 v8, v6;
	vm8 =	vlt.s32 v42, v7  }
0x49: {  	vm9 =	vgt.f32 v8, v6;
	vm0 =	vmand vm7, vm8  }
0x4a: {  	v12 =	vld [tilespmem:$0x3250];
	vm0 =	vmor vm9, vm0  }
0x4b: {  	v6 =	vsel vm0, v8, v6;
	v7 =	vsel vm0, v42, v7;
	v8 =	vld [tilespmem:$0x3350]  }
0x4c: {  	vm10 =	veq.f32 v43, v6;
	vm11 =	vlt.s32 v44, v7  }
0x4d: {  	vm12 =	vgt.f32 v43, v6;
	vm0 =	vmand vm10, vm11  }
0x4e: {  	v45 =	vld [tilespmem:$0x3260];
	vm0 =	vmor vm12, vm0  }
0x4f: {  	v46 =	vld [tilespmem:$0x3360];
	v6 =	vsel vm0, v43, v6;
	v7 =	vsel vm0, v44, v7  }
0x50: {  	vm13 =	veq.f32 v12, v6;
	vm14 =	vlt.s32 v8, v7  }
0x51: {  	vm15 =	vgt.f32 v12, v6;
	vm0 =	vmand vm13, vm14  }
0x52: {  	v47 =	vld [tilespmem:$0x3270];
	vm0 =	vmor vm15, vm0  }
0x53: {  	v6 =	vsel vm0, v12, v6;
	v7 =	vsel vm0, v8, v7;
	v8 =	vld [tilespmem:$0x3370]  }
0x54: {  	vm4 =	veq.f32 v45, v6;
	vm5 =	vlt.s32 v46, v7  }
0x55: {  	vm6 =	vgt.f32 v45, v6;
	vm0 =	vmand vm4, vm5  }
0x56: {  	v48 =	vld [tilespmem:$0x3280];
	vm0 =	vmor vm6, vm0  }
0x57: {  	v49 =	vld [tilespmem:$0x3380];
	v6 =	vsel vm0, v45, v6;
	v7 =	vsel vm0, v46, v7  }
0x58: {  	vm7 =	veq.f32 v47, v6;
	vm8 =	vlt.s32 v8, v7  }
0x59: {  	vm9 =	vgt.f32 v47, v6;
	vm0 =	vmand vm7, vm8  }
0x5a: {  	v50 =	vld [tilespmem:$0x3290];
	vm0 =	vmor vm9, vm0  }
0x5b: {  	v6 =	vsel vm0, v47, v6;
	v7 =	vsel vm0, v8, v7;
	v8 =	vld [tilespmem:$0x3390]  }
0x5c: {  	vm10 =	veq.f32 v48, v6;
	vm11 =	vlt.s32 v49, v7  }
0x5d: {  	vm12 =	vgt.f32 v48, v6;
	vm0 =	vmand vm10, vm11  }
0x5e: {  	v51 =	vld [tilespmem:$0x32A0];
	vm0 =	vmor vm12, vm0  }
0x5f: {  	v52 =	vld [tilespmem:$0x33A0];
	v6 =	vsel vm0, v48, v6;
	v7 =	vsel vm0, v49, v7  }
0x60: {  	vm13 =	veq.f32 v50, v6;
	vm14 =	vlt.s32 v8, v7  }
0x61: {  	vm15 =	vgt.f32 v50, v6;
	vm0 =	vmand vm13, vm14  }
0x62: {  	v53 =	vld [tilespmem:$0x32B0];
	vm0 =	vmor vm15, vm0  }
0x63: {  	v6 =	vsel vm0, v50, v6;
	v7 =	vsel vm0, v8, v7;
	v8 =	vld [tilespmem:$0x33B0]  }
0x64: {  	vm4 =	veq.f32 v51, v6;
	vm5 =	vlt.s32 v52, v7  }
0x65: {  	vm6 =	vgt.f32 v51, v6;
	vm0 =	vmand vm4, vm5  }
0x66: {  	v54 =	vld [tilespmem:$0x32C0];
	vm0 =	vmor vm6, vm0  }
0x67: {  	v55 =	vld [tilespmem:$0x33C0];
	v6 =	vsel vm0, v51, v6;
	v7 =	vsel vm0, v52, v7  }
0x68: {  	vm7 =	veq.f32 v53, v6;
	vm8 =	vlt.s32 v8, v7  }
0x69: {  	vm9 =	vgt.f32 v53, v6;
	vm0 =	vmand vm7, vm8  }
0x6a: {  	v56 =	vld [tilespmem:$0x32D0];
	vm0 =	vmor vm9, vm0  }
0x6b: {  	v6 =	vsel vm0, v53, v6;
	v7 =	vsel vm0, v8, v7;
	v8 =	vld [tilespmem:$0x33D0]  }
0x6c: {  	vm10 =	veq.f32 v54, v6;
	vm11 =	vlt.s32 v55, v7  }
0x6d: {  	vm12 =	vgt.f32 v54, v6;
	vm0 =	vmand vm10, vm11  }
0x6e: {  	v57 =	vld [tilespmem:$0x32E0];
	vm0 =	vmor vm12, vm0  }
0x6f: {  	v58 =	vld [tilespmem:$0x33E0];
	v6 =	vsel vm0, v54, v6;
	v7 =	vsel vm0, v55, v7  }
0x70: {  	vm13 =	veq.f32 v56, v6;
	vm14 =	vlt.s32 v8, v7  }
0x71: {  	vm15 =	vgt.f32 v56, v6;
	vm0 =	vmand vm13, vm14  }
0x72: {  	v59 =	vld [tilespmem:$0x32F0];
	vm0 =	vmor vm15, vm0  }
0x73: {  	v6 =	vsel vm0, v56, v6;
	v7 =	vsel vm0, v8, v7;
	v8 =	vld [tilespmem:$0x33F0]  }
0x74: {  	vm4 =	veq.f32 v57, v6;
	vm5 =	vlt.s32 v58, v7  }
0x75: {  	vm6 =	vgt.f32 v57, v6;
	vm0 =	vmand vm4, vm5  }
0x76: {  	v60 =	vld [tilespmem:$0x3300];
	vm0 =	vmor vm6, vm0  }
0x77: {  	v61 =	vld [tilespmem:$0x3400];
	v6 =	vsel vm0, v57, v6;
	v7 =	vsel vm0, v58, v7  }
0x78: {  	vm7 =	veq.f32 v59, v6;
	vm8 =	vlt.s32 v8, v7  }
0x79: {  	vm9 =	vgt.f32 v59, v6;
	vm0 =	vmand vm7, vm8  }
0x7a: {  	v62 =	vld [tilespmem:$0x3310];
	vm0 =	vmor vm9, vm0  }
0x7b: {  	v6 =	vsel vm0, v59, v6;
	v7 =	vsel vm0, v8, v7;
	v8 =	vld [tilespmem:$0x3410]  }
0x7c: {  	vm10 =	veq.f32 v60, v6;
	vm11 =	vlt.s32 v61, v7  }
0x7d: {  	vm12 =	vgt.f32 v60, v6;
	vm0 =	vmand vm10, vm11  }
0x7e: {  	vm0 =	vmor vm12, vm0  }
0x7f: {  	v6 =	vsel vm0, v60, v6;
	v7 =	vsel vm0, v61, v7  }
0x80: {  	vm13 =	veq.f32 v62, v6;
	vm14 =	vlt.s32 v8, v7  }
0x81: {  	vm15 =	vgt.f32 v62, v6;
	vm0 =	vmand vm13, vm14  }
0x82: {  	vm0 =	vmor vm15, vm0  }
0x83: {  	v6 =	vsel vm0, v62, v6;
	v7 =	vsel vm0, v8, v7  }
0x84: {  	v8 =	vperm.xlane v6, v1;
	v63 =	vperm.xlane v7, v1;
	_ =	sdelay $0x1  }
0x85: {  	vm4 =	veq.f32 v8, v6;
	vm5 =	vlt.s32 v63, v7  }
0x86: {  	vm6 =	vgt.f32 v8, v6;
	vm0 =	vmand vm4, vm5  }
0x87: {  	vm0 =	vmor vm6, vm0  }
0x88: {  	v6 =	vsel vm0, v8, v6;
	v7 =	vsel vm0, v63, v7  }
0x89: {  	v8 =	vperm.xlane v6, v2;
	v9 =	vperm.xlane v7, v2;
	_ =	sdelay $0x1  }
0x8a: {  	vm7 =	veq.f32 v8, v6;
	vm8 =	vlt.s32 v9, v7  }
0x8b: {  	vm9 =	vgt.f32 v8, v6;
	vm0 =	vmand vm7, vm8  }
0x8c: {  	vm0 =	vmor vm9, vm0  }
0x8d: {  	v6 =	vsel vm0, v8, v6;
	v7 =	vsel vm0, v9, v7  }
0x8e: {  	v8 =	vperm.xlane v6, v3;
	v9 =	vperm.xlane v7, v3;
	_ =	sdelay $0x1  }
0x8f: {  	vm10 =	veq.f32 v8, v6;
	vm11 =	vlt.s32 v9, v7  }
0x90: {  	vm12 =	vgt.f32 v8, v6;
	vm0 =	vmand vm10, vm11  }
0x91: {  	vm0 =	vmor vm12, vm0  }
0x92: {  	v6 =	vsel vm0, v8, v6;
	v7 =	vsel vm0, v9, v7  }
0x93: {  	v8 =	vperm.xlane v6, v4;
	v9 =	vperm.xlane v7, v4;
	_ =	sdelay $0x1  }
0x94: {  	vm13 =	veq.f32 v8, v6;
	vm14 =	vlt.s32 v9, v7  }
0x95: {  	vm15 =	vgt.f32 v8, v6;
	vm0 =	vmand vm13, vm14  }
0x96: {  	vm0 =	vmor vm15, vm0  }
0x97: {  	v6 =	vsel vm0, v9, v7;
	v7 =	vor.u32 s7, v0  }
0x98: {  	vm0 =	veq.s32 v7, v6  }
0x99: {  	s24 =	simm.s32 $0x0;
	s23 =	smov.u32 s7;
	s22 =	simm.s32 $0x40;
	v7 =	vsel vm0, $0x0, v5  }
.LBB2_4:
0x9a: {  	p0 =	sne.s32 s22, $0x30C0  }
0x9b: {  	[tilespmem:s24+$0x3420] =	vst v7;
	s23 =	sadd.s32 $0x10, s23;
	s24 =	smov.u32 s22;
	s22 =	sadd.s32 $0x40, s22  }
.Ltmp1:
0x9c: {  	(pc) =	sbr.rel @p0 .LBB2_4-.Ltmp1, $4  }
0x9d: {  	_ = 	snop  }
0x9e: {  	v7 =	vor.u32 s23, v0  }
0x9f: {  	vm0 =	veq.s32 v7, v6  }
0xa0: {  	s24 =	sshra.s32 s24, $0x2;
	v7 =	vsel vm0, $0x0, v5  }
0xa1: {  	s21 =	sadd.s32 $0x1, s21  }
0xa2: {  	p0 =	sne.s32 s21, s12  }
.Ltmp2:
0xa3: {  	[tilespmem:s24+$0x3420] =	vst v7;
	(pc) =	sbr.rel @p0 .LBB2_1-.Ltmp2, $4  }
0xa4: {  	[hbm4b:s11+s4] =	stream.linear.scatter [tilespmem:s20], [sflag:$0x2], $0xC40, $0x38;
	[tilespmem:$0x40A0] =	vst v63  }
0xa5: {  	_ =	swait.ge [sflag:s14], $0xC40  }
0xa6: {  	[sflag:s14] =	ssyncset.done $0x0  }
0xa7: {  	[sflag:s14] =	ssyncadd.s32 $0xFFFFF3C0  }
0xa8: {  	_ =	sfence.sel $0x180000  }
0xa9: {  	[bflag:$0x0] =	sbarrier.arrive $0xFFFF  }
0xaa: {  	p0 =	sne.s32 s2, $0x0;
	_ =	strace $0x90000047  }
0xab: {  	s0 =	sadd.s32 @!p0 $0x100000, s0;
	[bflag:$0x2] =	sbarrier.arrive $0xFFFF  }
0xac: {  	[sflag:s0] =	ssyncadd.tile.s32 @!p0 $0x1;
	_ =	shalt  }
.Lfunc_end2:
_tile_overlayer_lowered:
.L_overlay_start_2:
0xad: {  	(tag) =	ssettag $0x2  }
0xae: {  	s0 =	rddreg [dreg:$0x0];
	s2 =	stileid.u32  }
0xaf: {  	s1 =	rddreg [dreg:$0x1];
	p0 =	sne.s32 s2, $0x0  }
0xb0: {  	s3 =	rddreg [dreg:$0x2];
	[bflag:$0x3] =	sbarrier.arrive $0xFFFF;
	s2 =	simm.s32 @!p0 $0x1C02  }
0xb1: {  	[timem:s3], [sflag:s2] =	dma.local @!p0 [hbm:s0], s1  }
0xb2: {  	s0 =	simm.s32 @!p0 $0x2  }
0xb3: {  	_ =	swait.ge @!p0 [sflag:s0], s1  }
0xb4: {  	s1 =	ssub.s32 @!p0 $0x0, s1;
	[sflag:s0] =	ssyncset.done @!p0 $0x0  }
0xb5: {  	[sflag:s0] =	ssyncadd.s32 @!p0 s1  }
0xb6: {  	[bflag:$0x3] =	sbarrier.arrive $0xFFFF  }
0xb7: {  	_ =	shalt  }

</sc_bundles>
